<compile_context>
chip_gen: v7x
topology: tpu7x:2x2x1
jax: 0.10.2.dev20260603
libtpu: 0.0.44.dev20260713+nightly
codegen_flags: <defaults>
</compile_context>

<pallas_src>
import functools

import jax
import jax.numpy as jnp
from jax import lax
from jax.experimental import pallas as pl
from jax.experimental.pallas import tpu as pltpu
from jax.experimental.pallas import tpu_sc as plsc

NC = 2
NS = 16
NW = NC * NS
K = 128
DEGW = 128


def _sc_mesh():
    return plsc.VectorSubcoreMesh(
        core_axis_name="c", subcore_axis_name="s",
        num_cores=NC, num_subcores=NS)


def _make_deg(N_pad, E_pad):
    epw = E_pad // NW
    nch = epw // K
    rpw = N_pad // NS

    @functools.partial(
        pl.kernel,
        out_type=jax.ShapeDtypeStruct((NC, N_pad, DEGW), jnp.float32),
        mesh=_sc_mesh(),
        scratch_types=[
            pltpu.VMEM((nch, K), jnp.int32),
            pltpu.VMEM((K, DEGW), jnp.float32),
            pltpu.VMEM_SHARED((N_pad, DEGW), jnp.float32),
        ],
    )
    def deg_kernel(dst_hbm, ones_hbm, zeros_hbm, out_hbm, dstv, ones_v, acc_sh):
        c = lax.axis_index("c")
        s = lax.axis_index("s")
        wid = c * NS + s
        pltpu.sync_copy(ones_hbm, ones_v)
        pltpu.sync_copy(dst_hbm.at[pl.ds(wid * nch, nch)], dstv)
        pltpu.sync_copy(zeros_hbm, acc_sh.at[pl.ds(s * rpw, rpw)])
        plsc.subcore_barrier()

        def chunk(i, carry):
            pltpu.sync_copy(ones_v, acc_sh.at[dstv.at[i]], add=True)
            return carry

        lax.fori_loop(0, nch, chunk, 0)
        plsc.subcore_barrier()
        pltpu.sync_copy(acc_sh.at[pl.ds(s * rpw, rpw)],
                        out_hbm.at[c, pl.ds(s * rpw, rpw)])

    return deg_kernel


def _make_agg(N_pad, D, n0, n1):
    rpw = N_pad // NS

    @functools.partial(
        pl.kernel,
        out_type=jax.ShapeDtypeStruct((NC, N_pad, D), jnp.float32),
        mesh=_sc_mesh(),
        scratch_types=[
            pltpu.VMEM((n0, K), jnp.int32),
            pltpu.VMEM((n0, K), jnp.int32),
            pltpu.VMEM((K, D), jnp.float32),
            pltpu.VMEM_SHARED((N_pad, D), jnp.float32),
            pltpu.SemaphoreType.DMA,
        ],
    )
    def agg_kernel(hs_hbm, src_hbm, dst_hbm, zeros_hbm, out_hbm,
                   srcv, dstv, buf0, acc_sh, sem0):
        c = lax.axis_index("c")
        s = lax.axis_index("s")
        base_row = jnp.where(c == 0, s * n0, NS * n0 + s * n1)
        nch_c = jnp.where(c == 0, n0, n1)
        pltpu.sync_copy(src_hbm.at[pl.ds(base_row, n0)], srcv)
        pltpu.sync_copy(dst_hbm.at[pl.ds(base_row, n0)], dstv)
        pltpu.sync_copy(zeros_hbm, acc_sh.at[pl.ds(s * rpw, rpw)])
        plsc.subcore_barrier()

        def chunk(i, carry):
            pltpu.async_copy(hs_hbm.at[srcv.at[i]], buf0, sem0).wait()
            pltpu.sync_copy(buf0, acc_sh.at[dstv.at[i]], add=True)
            return carry

        lax.fori_loop(0, nch_c, chunk, 0)
        plsc.subcore_barrier()
        pltpu.sync_copy(acc_sh.at[pl.ds(s * rpw, rpw)],
                        out_hbm.at[c, pl.ds(s * rpw, rpw)])

    return agg_kernel


def _row_spec(R, D):
    return pl.BlockSpec((R, D), lambda i: (i, 0))


def _full_spec(shape):
    nd = len(shape)
    return pl.BlockSpec(shape, lambda i, _nd=nd: (0,) * _nd)


def _scale_from_deg(degp_ref):
    deg = degp_ref[0, :, 0:1] + degp_ref[1, :, 0:1]
    return lax.rsqrt(deg + 1.0)


def _enc_call(features, degp, W_enc, b_enc, R):
    N, D_in = features.shape
    D = W_enc.shape[1]

    def body(x_ref, degp_ref, w_ref, b_ref, h_ref, hs_ref):
        h = jnp.dot(x_ref[...], w_ref[...],
                    preferred_element_type=jnp.float32) + b_ref[...]
        s = _scale_from_deg(degp_ref)
        h_ref[...] = h
        hs_ref[...] = h * s

    return pl.pallas_call(
        body,
        grid=(N // R,),
        in_specs=[
            _row_spec(R, D_in),
            pl.BlockSpec((NC, R, DEGW), lambda i: (0, i, 0)),
            _full_spec((D_in, D)),
            _full_spec((1, D)),
        ],
        out_specs=[_row_spec(R, D), _row_spec(R, D)],
        out_shape=[jax.ShapeDtypeStruct((N, D), jnp.float32)] * 2,
    )(features, degp, W_enc, b_enc[None, :])


def _comb_call(h, aggp, degp, W_top, W_bot, b, R):
    N, D = h.shape

    def body(h_ref, aggp_ref, degp_ref, wt_ref, wb_ref, b_ref,
             h2_ref, h2s_ref):
        s = _scale_from_deg(degp_ref)
        agg = (aggp_ref[0] + aggp_ref[1]) * s
        z = (jnp.dot(h_ref[...], wt_ref[...], preferred_element_type=jnp.float32)
             + jnp.dot(agg, wb_ref[...], preferred_element_type=jnp.float32)
             + b_ref[...])
        h2 = jnp.maximum(z, 0.0)
        h2_ref[...] = h2
        h2s_ref[...] = h2 * s

    return pl.pallas_call(
        body,
        grid=(N // R,),
        in_specs=[
            _row_spec(R, D),
            pl.BlockSpec((NC, R, D), lambda i: (0, i, 0)),
            pl.BlockSpec((NC, R, DEGW), lambda i: (0, i, 0)),
            _full_spec((D, D)),
            _full_spec((D, D)),
            _full_spec((1, D)),
        ],
        out_specs=[_row_spec(R, D), _row_spec(R, D)],
        out_shape=[jax.ShapeDtypeStruct((N, D), jnp.float32)] * 2,
    )(h, aggp, degp, W_top, W_bot, b[None, :])


def _comb_head_call(h, aggp, degp, W_top, W_bot, b, W_out, b_out, R):
    N, D = h.shape
    D_out = W_out.shape[1]

    def body(h_ref, aggp_ref, degp_ref, wt_ref, wb_ref, b_ref,
             wo_ref, bo_ref, out_ref):
        s = _scale_from_deg(degp_ref)
        agg = (aggp_ref[0] + aggp_ref[1]) * s
        z = (jnp.dot(h_ref[...], wt_ref[...], preferred_element_type=jnp.float32)
             + jnp.dot(agg, wb_ref[...], preferred_element_type=jnp.float32)
             + b_ref[...])
        h2 = jnp.maximum(z, 0.0)
        out_ref[...] = jnp.dot(h2, wo_ref[...],
                               preferred_element_type=jnp.float32) + bo_ref[...]

    return pl.pallas_call(
        body,
        grid=(N // R,),
        in_specs=[
            _row_spec(R, D),
            pl.BlockSpec((NC, R, D), lambda i: (0, i, 0)),
            pl.BlockSpec((NC, R, DEGW), lambda i: (0, i, 0)),
            _full_spec((D, D)),
            _full_spec((D, D)),
            _full_spec((1, D)),
            _full_spec((D, D_out)),
            _full_spec((1, D_out)),
        ],
        out_specs=pl.BlockSpec((R, D_out), lambda i: (i, 0)),
        out_shape=jax.ShapeDtypeStruct((N, D_out), jnp.float32),
    )(h, aggp, degp, W_top, W_bot, b[None, :], W_out, b_out[None, :])


def kernel(features, edge_list, W_enc, b_enc, W_comb, b_comb, W_out, b_out):
    N, D_in = features.shape
    E = edge_list.shape[0]
    D = W_enc.shape[1]
    layers = W_comb.shape[0]

    R = 1000
    N_pad = ((N + 16 * NS - 1) // (16 * NS)) * (16 * NS)
    E_pad = ((E + NW * K - 1) // (NW * K)) * (NW * K)

    n0 = 72
    n1 = E_pad // K // NS - n0
    alloc_rows = E_pad // K + (n0 - n1)

    src = edge_list[:, 0]
    dst = edge_list[:, 1]
    pad = alloc_rows * K - E
    src_p = jnp.concatenate([src, jnp.zeros((pad,), jnp.int32)])
    trash = N + jnp.arange(pad, dtype=jnp.int32) % (N_pad - N)
    dst_p = jnp.concatenate([dst, trash])
    src_p = src_p.reshape(alloc_rows, K)
    dst_p = dst_p.reshape(alloc_rows, K)

    rpw = N_pad // NS
    zeros_deg = jnp.zeros((rpw, DEGW), jnp.float32)
    ones_deg = jnp.ones((K, DEGW), jnp.float32)
    zeros_agg = jnp.zeros((rpw, D), jnp.float32)

    degp = _make_deg(N_pad, E_pad)(dst_p, ones_deg, zeros_deg)
    h, hs = _enc_call(features, degp, W_enc, b_enc, R)
    agg_fn = _make_agg(N_pad, D, n0, n1)
    for l in range(layers - 1):
        aggp = agg_fn(hs, src_p, dst_p, zeros_agg)
        h, hs = _comb_call(h, aggp, degp,
                           W_comb[l, :D], W_comb[l, D:], b_comb[l], R)
    aggp = agg_fn(hs, src_p, dst_p, zeros_agg)
    return _comb_head_call(h, aggp, degp,
                           W_comb[layers - 1, :D], W_comb[layers - 1, D:],
                           b_comb[layers - 1], W_out, b_out, R)

# --- scband reference (transcript-rebuilt; emitter-appended) ---
"""Pipeline reference for scband-message-passing-52450140618855 (READ-ONLY COPY).

The authoritative reference and input builder live on the scoring server;
editing this copy changes nothing except your own understanding.
"""

import jax, jax.numpy as jnp
import numpy as np

LAYERS = 2
N = 10000
E = 160000
D_IN = 128
D_LAT = 128
D_OUT = 128


def setup_inputs(seed: int = 0) -> dict:
    key = jax.random.key(seed)
    ks = jax.random.split(key, 9)
    features = jax.random.normal(ks[0], (N, D_IN), dtype=jnp.float32)
    edge_list = jax.random.randint(ks[1], (E, 2), 0, N, dtype=jnp.int32)
    W_enc = jax.random.normal(ks[2], (D_IN, D_LAT), dtype=jnp.float32) * 0.05
    b_enc = jnp.zeros((D_LAT,), dtype=jnp.float32)
    W_comb = jax.random.normal(ks[3], (LAYERS, 2 * D_LAT, D_LAT), dtype=jnp.float32) * 0.05
    b_comb = jnp.zeros((LAYERS, D_LAT), dtype=jnp.float32)
    W_out = jax.random.normal(ks[4], (D_LAT, D_OUT), dtype=jnp.float32) * 0.05
    b_out = jnp.zeros((D_OUT,), dtype=jnp.float32)
    return {
        "features": features,
        "edge_list": edge_list,
        "W_enc": W_enc,
        "b_enc": b_enc,
        "W_comb": W_comb,
        "b_comb": b_comb,
        "W_out": W_out,
        "b_out": b_out,
    }


def reference(features, edge_list, W_enc, b_enc, W_comb, b_comb, W_out, b_out):
    # encoder: linear input_dim -> latent_dim
    h = features @ W_enc + b_enc
    src = edge_list[:, 0]
    dst = edge_list[:, 1]
    # in-degree of each destination node (degree computed once, before layer loop,
    # exactly as in the original module)
    deg = jnp.zeros((N,), dtype=jnp.float32).at[dst].add(1.0)
    # symmetric normalization per edge: sqrt((deg[dst]+1) * (deg[src]+1))
    norm = jnp.sqrt((deg[dst] + 1.0) * (deg[src] + 1.0))
    for l in range(LAYERS):
        # message: gather source features, normalize per edge
        msgs = h[src] / norm[:, None]
        # aggregation: sum over incoming edges (scatter-add by dst);
        # nodes with no neighbors get zeros, matching the zeros-fallback
        agg = jax.ops.segment_sum(msgs, dst, num_segments=N)
        # combine: linear over [old_feature, aggregated] + relu, per-layer weights
        h = jax.nn.relu(jnp.concatenate([h, agg], axis=1) @ W_comb[l] + b_comb[l])
    # output head: linear latent_dim -> output_dim
    return h @ W_out + b_out

if __name__ == "__main__":
    import jax
    _d = setup_inputs()
    print(jax.jit(kernel)(*tuple(_d.values())))

</pallas_src>

<mosaic_0001>
#map = affine_map<(d0, d1) -> (0, 0)>
#map1 = affine_map<(d0, d1) -> (0, 0, 0)>
module attributes {stable_mosaic.version = 14 : i64} {
  func.func @agg_kernel(%arg0: i32, %arg1: i32, %arg2: memref<10000x128xf32, #tpu.memory_space<hbm>>, %arg3: memref<1344x128xi32, #tpu.memory_space<hbm>>, %arg4: memref<1344x128xi32, #tpu.memory_space<hbm>>, %arg5: memref<640x128xf32, #tpu.memory_space<hbm>>, %arg6: memref<2x10240x128xf32, #tpu.memory_space<hbm>>, %arg7: memref<72x128xi32, #tpu.memory_space<vmem>>, %arg8: memref<72x128xi32, #tpu.memory_space<vmem>>, %arg9: memref<128x128xf32, #tpu.memory_space<vmem>>, %arg10: memref<10240x128xf32, #tpu.memory_space<vmem_shared>>, %arg11: memref<!tpu.dma_semaphore, #tpu.memory_space<semaphore_mem>>) attributes {dimension_semantics = [#tpu.dimension_semantics<core_parallel>, #tpu.dimension_semantics<subcore_parallel>], iteration_bounds = array<i64: 2, 16>, scalar_prefetch = 0 : i64, scratch_operands = 5 : i64, tpu.core_type = #tpu.core_type<sc_vector_subcore>, window_params = [{transform_indices = #map}, {transform_indices = #map}, {transform_indices = #map}, {transform_indices = #map}, {transform_indices = #map1}]} {
    %eq3A = arith.constant 0 : i32
    %eq3A_0 = arith.cmpi eq, %arg0, %eq3A : i32
    %mul3A = arith.constant 72 : i32
    %mul3A_1 = arith.muli %arg1, %mul3A : i32
    %mul3A_2 = arith.constant 8 : i32
    %mul3A_3 = arith.muli %arg1, %mul3A_2 : i32
    %add3A = arith.constant 1152 : i32
    %add3A_4 = arith.addi %add3A, %mul3A_3 : i32
    %select_n3A = arith.select %eq3A_0, %mul3A_1, %add3A_4 : i32
    %eq3A_5 = arith.constant 0 : i32
    %eq3A_6 = arith.cmpi eq, %arg0, %eq3A_5 : i32
    %jit3A = arith.constant 72 : i32
    %jit3A_7 = arith.constant 8 : i32
    %select_n3A_8 = arith.select %eq3A_6, %jit3A, %jit3A_7 : i32
    "tpu.region"() ({
      %run_scoped3A = tpu.sem_alloc : memref<!tpu.dma_semaphore, #tpu.memory_space<semaphore_mem>>
      %dma_start3A = arith.constant 0 : i32
      %dma_start3A_25 = tpu.memref_slice %arg3[%select_n3A, %dma_start3A] : memref<1344x128xi32, #tpu.memory_space<hbm>> -> memref<72x128xi32, #tpu.memory_space<hbm>>
      %dma_start3A_26 = arith.constant 0 : i32
      %dma_start3A_27 = tpu.memref_slice %arg3[%select_n3A, %dma_start3A_26] : memref<1344x128xi32, #tpu.memory_space<hbm>> -> memref<72x128xi32, #tpu.memory_space<hbm>>
      tpu.enqueue_dma source(%dma_start3A_27 : memref<72x128xi32, #tpu.memory_space<hbm>>) target(%arg7 : memref<72x128xi32, #tpu.memory_space<vmem>>) target_semaphore(%run_scoped3A : memref<!tpu.dma_semaphore, #tpu.memory_space<semaphore_mem>>)
      %dma_wait3A = arith.constant 0 : i32
      %dma_wait3A_28 = tpu.memref_slice %arg3[%select_n3A, %dma_wait3A] : memref<1344x128xi32, #tpu.memory_space<hbm>> -> memref<72x128xi32, #tpu.memory_space<hbm>>
      %dma_wait3A_29 = arith.constant 0 : i32
      %dma_wait3A_30 = tpu.memref_slice %arg3[%select_n3A, %dma_wait3A_29] : memref<1344x128xi32, #tpu.memory_space<hbm>> -> memref<72x128xi32, #tpu.memory_space<hbm>>
      tpu.wait_dma2 semaphore(%run_scoped3A : memref<!tpu.dma_semaphore, #tpu.memory_space<semaphore_mem>>) src(%dma_wait3A_30 : memref<72x128xi32, #tpu.memory_space<hbm>>) dst(%arg7 : memref<72x128xi32, #tpu.memory_space<vmem>>)
      tpu.yield
    }) : () -> ()
    "tpu.region"() ({
      %run_scoped3A = tpu.sem_alloc : memref<!tpu.dma_semaphore, #tpu.memory_space<semaphore_mem>>
      %dma_start3A = arith.constant 0 : i32
      %dma_start3A_25 = tpu.memref_slice %arg4[%select_n3A, %dma_start3A] : memref<1344x128xi32, #tpu.memory_space<hbm>> -> memref<72x128xi32, #tpu.memory_space<hbm>>
      %dma_start3A_26 = arith.constant 0 : i32
      %dma_start3A_27 = tpu.memref_slice %arg4[%select_n3A, %dma_start3A_26] : memref<1344x128xi32, #tpu.memory_space<hbm>> -> memref<72x128xi32, #tpu.memory_space<hbm>>
      tpu.enqueue_dma source(%dma_start3A_27 : memref<72x128xi32, #tpu.memory_space<hbm>>) target(%arg8 : memref<72x128xi32, #tpu.memory_space<vmem>>) target_semaphore(%run_scoped3A : memref<!tpu.dma_semaphore, #tpu.memory_space<semaphore_mem>>)
      %dma_wait3A = arith.constant 0 : i32
      %dma_wait3A_28 = tpu.memref_slice %arg4[%select_n3A, %dma_wait3A] : memref<1344x128xi32, #tpu.memory_space<hbm>> -> memref<72x128xi32, #tpu.memory_space<hbm>>
      %dma_wait3A_29 = arith.constant 0 : i32
      %dma_wait3A_30 = tpu.memref_slice %arg4[%select_n3A, %dma_wait3A_29] : memref<1344x128xi32, #tpu.memory_space<hbm>> -> memref<72x128xi32, #tpu.memory_space<hbm>>
      tpu.wait_dma2 semaphore(%run_scoped3A : memref<!tpu.dma_semaphore, #tpu.memory_space<semaphore_mem>>) src(%dma_wait3A_30 : memref<72x128xi32, #tpu.memory_space<hbm>>) dst(%arg8 : memref<72x128xi32, #tpu.memory_space<vmem>>)
      tpu.yield
    }) : () -> ()
    %mul3A_9 = arith.constant 640 : i32
    %mul3A_10 = arith.muli %arg1, %mul3A_9 : i32
    "tpu.region"() ({
      %run_scoped3A = tpu.sem_alloc : memref<!tpu.dma_semaphore, #tpu.memory_space<semaphore_mem>>
      %dma_start3A = arith.constant 0 : i32
      %dma_start3A_25 = tpu.memref_slice %arg10[%mul3A_10, %dma_start3A] : memref<10240x128xf32, #tpu.memory_space<vmem_shared>> -> memref<640x128xf32, #tpu.memory_space<vmem_shared>>
      tpu.enqueue_dma source(%arg5 : memref<640x128xf32, #tpu.memory_space<hbm>>) target(%dma_start3A_25 : memref<640x128xf32, #tpu.memory_space<vmem_shared>>) target_semaphore(%run_scoped3A : memref<!tpu.dma_semaphore, #tpu.memory_space<semaphore_mem>>)
      %dma_wait3A = arith.constant 0 : i32
      %dma_wait3A_26 = tpu.memref_slice %arg10[%mul3A_10, %dma_wait3A] : memref<10240x128xf32, #tpu.memory_space<vmem_shared>> -> memref<640x128xf32, #tpu.memory_space<vmem_shared>>
      tpu.wait_dma2 semaphore(%run_scoped3A : memref<!tpu.dma_semaphore, #tpu.memory_space<semaphore_mem>>) src(%arg5 : memref<640x128xf32, #tpu.memory_space<hbm>>) dst(%dma_wait3A_26 : memref<640x128xf32, #tpu.memory_space<vmem_shared>>)
      tpu.yield
    }) : () -> ()
    %barrier3A = arith.constant 0 : index
    tpu.barrier barrier_id(%barrier3A)
    %while3A = arith.constant 0 : i32
    %while3A_11 = arith.constant 0 : i32
    %while3A_12 = arith.subi %select_n3A_8, %while3A_11 : i32
    %while3A_13 = arith.addi %while3A_11, %while3A_12 : i32
    %while3A_14 = arith.constant 1 : i32
    %while3A_15 = arith.divsi %while3A_12, %while3A_14 : i32
    %while3A_16 = arith.muli %while3A_15, %while3A_14 : i32
    %while3A_17 = arith.addi %while3A_11, %while3A_16 : i32
    %while3A_18 = arith.constant 1 : i32
    scf.for %while3A_25 = %while3A_11 to %while3A_17 step %while3A_18  : i32 {
      %dma_start3A = arith.constant 0 : i32
      %dma_start3A_26 = tpu.memref_slice %arg7[%while3A_25, %dma_start3A] : memref<72x128xi32, #tpu.memory_space<vmem>> -> memref<1x128xi32, #tpu.memory_space<vmem>>
      %dma_start3A_27 = tpu.memref_squeeze %dma_start3A_26 : memref<1x128xi32, #tpu.memory_space<vmem>> -> memref<128xi32, #tpu.memory_space<vmem>>
      %dma_start3A_28 = arith.constant 0 : i32
      %dma_start3A_29 = arith.constant 0 : i32
      %dma_start3A_30 = tpu.memref_slice %arg2[%dma_start3A_28, %dma_start3A_29] : memref<10000x128xf32, #tpu.memory_space<hbm>> -> memref<10000x128xf32, #tpu.memory_space<hbm>>
      tpu.enqueue_indirect_dma source(%dma_start3A_30 : memref<10000x128xf32, #tpu.memory_space<hbm>>) target(%arg9 : memref<128x128xf32, #tpu.memory_space<vmem>>) offsets(%dma_start3A_27 : memref<128xi32, #tpu.memory_space<vmem>>) semaphore(%arg11 : memref<!tpu.dma_semaphore, #tpu.memory_space<semaphore_mem>>)
      %dma_wait3A = arith.constant 0 : i32
      %dma_wait3A_31 = tpu.memref_slice %arg7[%while3A_25, %dma_wait3A] : memref<72x128xi32, #tpu.memory_space<vmem>> -> memref<1x128xi32, #tpu.memory_space<vmem>>
      %dma_wait3A_32 = tpu.memref_squeeze %dma_wait3A_31 : memref<1x128xi32, #tpu.memory_space<vmem>> -> memref<128xi32, #tpu.memory_space<vmem>>
      %dma_wait3A_33 = arith.constant 0 : i32
      %dma_wait3A_34 = arith.constant 0 : i32
      %dma_wait3A_35 = tpu.memref_slice %arg2[%dma_wait3A_33, %dma_wait3A_34] : memref<10000x128xf32, #tpu.memory_space<hbm>> -> memref<10000x128xf32, #tpu.memory_space<hbm>>
      tpu.wait_indirect_dma semaphore(%arg11 : memref<!tpu.dma_semaphore, #tpu.memory_space<semaphore_mem>>) src(%dma_wait3A_35 : memref<10000x128xf32, #tpu.memory_space<hbm>>) dst(%arg9 : memref<128x128xf32, #tpu.memory_space<vmem>>)
      "tpu.region"() ({
        %run_scoped3A = tpu.sem_alloc : memref<!tpu.dma_semaphore, #tpu.memory_space<semaphore_mem>>
        %dma_start3A_36 = arith.constant 0 : i32
        %dma_start3A_37 = tpu.memref_slice %arg8[%while3A_25, %dma_start3A_36] : memref<72x128xi32, #tpu.memory_space<vmem>> -> memref<1x128xi32, #tpu.memory_space<vmem>>
        %dma_start3A_38 = tpu.memref_squeeze %dma_start3A_37 : memref<1x128xi32, #tpu.memory_space<vmem>> -> memref<128xi32, #tpu.memory_space<vmem>>
        %dma_start3A_39 = arith.constant 0 : i32
        %dma_start3A_40 = arith.constant 0 : i32
        %dma_start3A_41 = tpu.memref_slice %arg10[%dma_start3A_39, %dma_start3A_40] : memref<10240x128xf32, #tpu.memory_space<vmem_shared>> -> memref<10240x128xf32, #tpu.memory_space<vmem_shared>>
        tpu.enqueue_indirect_dma source(%arg9 : memref<128x128xf32, #tpu.memory_space<vmem>>) target(%dma_start3A_41 : memref<10240x128xf32, #tpu.memory_space<vmem_shared>>) offsets(%dma_start3A_38 : memref<128xi32, #tpu.memory_space<vmem>>) semaphore(%run_scoped3A : memref<!tpu.dma_semaphore, #tpu.memory_space<semaphore_mem>>) {add = true}
        %dma_wait3A_42 = arith.constant 0 : i32
        %dma_wait3A_43 = tpu.memref_slice %arg8[%while3A_25, %dma_wait3A_42] : memref<72x128xi32, #tpu.memory_space<vmem>> -> memref<1x128xi32, #tpu.memory_space<vmem>>
        %dma_wait3A_44 = tpu.memref_squeeze %dma_wait3A_43 : memref<1x128xi32, #tpu.memory_space<vmem>> -> memref<128xi32, #tpu.memory_space<vmem>>
        %dma_wait3A_45 = arith.constant 0 : i32
        %dma_wait3A_46 = arith.constant 0 : i32
        %dma_wait3A_47 = tpu.memref_slice %arg10[%dma_wait3A_45, %dma_wait3A_46] : memref<10240x128xf32, #tpu.memory_space<vmem_shared>> -> memref<10240x128xf32, #tpu.memory_space<vmem_shared>>
        tpu.wait_indirect_dma semaphore(%run_scoped3A : memref<!tpu.dma_semaphore, #tpu.memory_space<semaphore_mem>>) src(%arg9 : memref<128x128xf32, #tpu.memory_space<vmem>>) dst(%dma_wait3A_47 : memref<10240x128xf32, #tpu.memory_space<vmem_shared>>)
        tpu.yield
      }) : () -> ()
    }
    %while3A_19 = arith.constant 1 : i32
    scf.for %while3A_25 = %while3A_17 to %while3A_13 step %while3A_19  : i32 {
      %dma_start3A = arith.constant 0 : i32
      %dma_start3A_26 = tpu.memref_slice %arg7[%while3A_25, %dma_start3A] : memref<72x128xi32, #tpu.memory_space<vmem>> -> memref<1x128xi32, #tpu.memory_space<vmem>>
      %dma_start3A_27 = tpu.memref_squeeze %dma_start3A_26 : memref<1x128xi32, #tpu.memory_space<vmem>> -> memref<128xi32, #tpu.memory_space<vmem>>
      %dma_start3A_28 = arith.constant 0 : i32
      %dma_start3A_29 = arith.constant 0 : i32
      %dma_start3A_30 = tpu.memref_slice %arg2[%dma_start3A_28, %dma_start3A_29] : memref<10000x128xf32, #tpu.memory_space<hbm>> -> memref<10000x128xf32, #tpu.memory_space<hbm>>
      tpu.enqueue_indirect_dma source(%dma_start3A_30 : memref<10000x128xf32, #tpu.memory_space<hbm>>) target(%arg9 : memref<128x128xf32, #tpu.memory_space<vmem>>) offsets(%dma_start3A_27 : memref<128xi32, #tpu.memory_space<vmem>>) semaphore(%arg11 : memref<!tpu.dma_semaphore, #tpu.memory_space<semaphore_mem>>)
      %dma_wait3A = arith.constant 0 : i32
      %dma_wait3A_31 = tpu.memref_slice %arg7[%while3A_25, %dma_wait3A] : memref<72x128xi32, #tpu.memory_space<vmem>> -> memref<1x128xi32, #tpu.memory_space<vmem>>
      %dma_wait3A_32 = tpu.memref_squeeze %dma_wait3A_31 : memref<1x128xi32, #tpu.memory_space<vmem>> -> memref<128xi32, #tpu.memory_space<vmem>>
      %dma_wait3A_33 = arith.constant 0 : i32
      %dma_wait3A_34 = arith.constant 0 : i32
      %dma_wait3A_35 = tpu.memref_slice %arg2[%dma_wait3A_33, %dma_wait3A_34] : memref<10000x128xf32, #tpu.memory_space<hbm>> -> memref<10000x128xf32, #tpu.memory_space<hbm>>
      tpu.wait_indirect_dma semaphore(%arg11 : memref<!tpu.dma_semaphore, #tpu.memory_space<semaphore_mem>>) src(%dma_wait3A_35 : memref<10000x128xf32, #tpu.memory_space<hbm>>) dst(%arg9 : memref<128x128xf32, #tpu.memory_space<vmem>>)
      "tpu.region"() ({
        %run_scoped3A = tpu.sem_alloc : memref<!tpu.dma_semaphore, #tpu.memory_space<semaphore_mem>>
        %dma_start3A_36 = arith.constant 0 : i32
        %dma_start3A_37 = tpu.memref_slice %arg8[%while3A_25, %dma_start3A_36] : memref<72x128xi32, #tpu.memory_space<vmem>> -> memref<1x128xi32, #tpu.memory_space<vmem>>
        %dma_start3A_38 = tpu.memref_squeeze %dma_start3A_37 : memref<1x128xi32, #tpu.memory_space<vmem>> -> memref<128xi32, #tpu.memory_space<vmem>>
        %dma_start3A_39 = arith.constant 0 : i32
        %dma_start3A_40 = arith.constant 0 : i32
        %dma_start3A_41 = tpu.memref_slice %arg10[%dma_start3A_39, %dma_start3A_40] : memref<10240x128xf32, #tpu.memory_space<vmem_shared>> -> memref<10240x128xf32, #tpu.memory_space<vmem_shared>>
        tpu.enqueue_indirect_dma source(%arg9 : memref<128x128xf32, #tpu.memory_space<vmem>>) target(%dma_start3A_41 : memref<10240x128xf32, #tpu.memory_space<vmem_shared>>) offsets(%dma_start3A_38 : memref<128xi32, #tpu.memory_space<vmem>>) semaphore(%run_scoped3A : memref<!tpu.dma_semaphore, #tpu.memory_space<semaphore_mem>>) {add = true}
        %dma_wait3A_42 = arith.constant 0 : i32
        %dma_wait3A_43 = tpu.memref_slice %arg8[%while3A_25, %dma_wait3A_42] : memref<72x128xi32, #tpu.memory_space<vmem>> -> memref<1x128xi32, #tpu.memory_space<vmem>>
        %dma_wait3A_44 = tpu.memref_squeeze %dma_wait3A_43 : memref<1x128xi32, #tpu.memory_space<vmem>> -> memref<128xi32, #tpu.memory_space<vmem>>
        %dma_wait3A_45 = arith.constant 0 : i32
        %dma_wait3A_46 = arith.constant 0 : i32
        %dma_wait3A_47 = tpu.memref_slice %arg10[%dma_wait3A_45, %dma_wait3A_46] : memref<10240x128xf32, #tpu.memory_space<vmem_shared>> -> memref<10240x128xf32, #tpu.memory_space<vmem_shared>>
        tpu.wait_indirect_dma semaphore(%run_scoped3A : memref<!tpu.dma_semaphore, #tpu.memory_space<semaphore_mem>>) src(%arg9 : memref<128x128xf32, #tpu.memory_space<vmem>>) dst(%dma_wait3A_47 : memref<10240x128xf32, #tpu.memory_space<vmem_shared>>)
        tpu.yield
      }) : () -> ()
    }
    %barrier3A_20 = arith.constant 0 : index
    tpu.barrier barrier_id(%barrier3A_20)
    %mul3A_21 = arith.constant 640 : i32
    %mul3A_22 = arith.muli %arg1, %mul3A_21 : i32
    %mul3A_23 = arith.constant 640 : i32
    %mul3A_24 = arith.muli %arg1, %mul3A_23 : i32
    "tpu.region"() ({
      %run_scoped3A = tpu.sem_alloc : memref<!tpu.dma_semaphore, #tpu.memory_space<semaphore_mem>>
      %dma_start3A = arith.constant 0 : i32
      %dma_start3A_25 = tpu.memref_slice %arg6[%arg0, %mul3A_24, %dma_start3A] : memref<2x10240x128xf32, #tpu.memory_space<hbm>> -> memref<1x640x128xf32, #tpu.memory_space<hbm>>
      %dma_start3A_26 = tpu.memref_squeeze %dma_start3A_25 : memref<1x640x128xf32, #tpu.memory_space<hbm>> -> memref<640x128xf32, #tpu.memory_space<hbm>>
      %dma_start3A_27 = arith.constant 0 : i32
      %dma_start3A_28 = tpu.memref_slice %arg10[%mul3A_22, %dma_start3A_27] : memref<10240x128xf32, #tpu.memory_space<vmem_shared>> -> memref<640x128xf32, #tpu.memory_space<vmem_shared>>
      tpu.enqueue_dma source(%dma_start3A_28 : memref<640x128xf32, #tpu.memory_space<vmem_shared>>) target(%dma_start3A_26 : memref<640x128xf32, #tpu.memory_space<hbm>>) target_semaphore(%run_scoped3A : memref<!tpu.dma_semaphore, #tpu.memory_space<semaphore_mem>>)
      %dma_wait3A = arith.constant 0 : i32
      %dma_wait3A_29 = tpu.memref_slice %arg6[%arg0, %mul3A_24, %dma_wait3A] : memref<2x10240x128xf32, #tpu.memory_space<hbm>> -> memref<1x640x128xf32, #tpu.memory_space<hbm>>
      %dma_wait3A_30 = tpu.memref_squeeze %dma_wait3A_29 : memref<1x640x128xf32, #tpu.memory_space<hbm>> -> memref<640x128xf32, #tpu.memory_space<hbm>>
      %dma_wait3A_31 = arith.constant 0 : i32
      %dma_wait3A_32 = tpu.memref_slice %arg10[%mul3A_22, %dma_wait3A_31] : memref<10240x128xf32, #tpu.memory_space<vmem_shared>> -> memref<640x128xf32, #tpu.memory_space<vmem_shared>>
      tpu.wait_dma2 semaphore(%run_scoped3A : memref<!tpu.dma_semaphore, #tpu.memory_space<semaphore_mem>>) src(%dma_wait3A_32 : memref<640x128xf32, #tpu.memory_space<vmem_shared>>) dst(%dma_wait3A_30 : memref<640x128xf32, #tpu.memory_space<hbm>>)
      tpu.yield
    }) : () -> ()
    return
  }
}

#map = affine_map<(d0, d1) -> (0, 0)>
#map1 = affine_map<(d0, d1) -> (0, 0, 0)>
module attributes {stable_mosaic.version = 14 : i64} {
  func.func @agg_kernel(%arg0: i32, %arg1: i32, %arg2: memref<10000x128xf32, #tpu.memory_space<hbm>>, %arg3: memref<1344x128xi32, #tpu.memory_space<hbm>>, %arg4: memref<1344x128xi32, #tpu.memory_space<hbm>>, %arg5: memref<640x128xf32, #tpu.memory_space<hbm>>, %arg6: memref<2x10240x128xf32, #tpu.memory_space<hbm>>, %arg7: memref<72x128xi32, #tpu.memory_space<vmem>>, %arg8: memref<72x128xi32, #tpu.memory_space<vmem>>, %arg9: memref<128x128xf32, #tpu.memory_space<vmem>>, %arg10: memref<10240x128xf32, #tpu.memory_space<vmem_shared>>, %arg11: memref<!tpu.dma_semaphore, #tpu.memory_space<semaphore_mem>>) attributes {dimension_semantics = [#tpu.dimension_semantics<core_parallel>, #tpu.dimension_semantics<subcore_parallel>], iteration_bounds = array<i64: 2, 16>, scalar_prefetch = 0 : i64, scratch_operands = 5 : i64, tpu.core_type = #tpu.core_type<sc_vector_subcore>, window_params = [{transform_indices = #map}, {transform_indices = #map}, {transform_indices = #map}, {transform_indices = #map}, {transform_indices = #map1}]} {
    %eq3A = arith.constant 0 : i32
    %eq3A_0 = arith.cmpi eq, %arg0, %eq3A : i32
    %mul3A = arith.constant 72 : i32
    %mul3A_1 = arith.muli %arg1, %mul3A : i32
    %mul3A_2 = arith.constant 8 : i32
    %mul3A_3 = arith.muli %arg1, %mul3A_2 : i32
    %add3A = arith.constant 1152 : i32
    %add3A_4 = arith.addi %add3A, %mul3A_3 : i32
    %select_n3A = arith.select %eq3A_0, %mul3A_1, %add3A_4 : i32
    %eq3A_5 = arith.constant 0 : i32
    %eq3A_6 = arith.cmpi eq, %arg0, %eq3A_5 : i32
    %jit3A = arith.constant 72 : i32
    %jit3A_7 = arith.constant 8 : i32
    %select_n3A_8 = arith.select %eq3A_6, %jit3A, %jit3A_7 : i32
    "tpu.region"() ({
      %run_scoped3A = tpu.sem_alloc : memref<!tpu.dma_semaphore, #tpu.memory_space<semaphore_mem>>
      %dma_start3A = arith.constant 0 : i32
      %dma_start3A_25 = tpu.memref_slice %arg3[%select_n3A, %dma_start3A] : memref<1344x128xi32, #tpu.memory_space<hbm>> -> memref<72x128xi32, #tpu.memory_space<hbm>>
      %dma_start3A_26 = arith.constant 0 : i32
      %dma_start3A_27 = tpu.memref_slice %arg3[%select_n3A, %dma_start3A_26] : memref<1344x128xi32, #tpu.memory_space<hbm>> -> memref<72x128xi32, #tpu.memory_space<hbm>>
      tpu.enqueue_dma source(%dma_start3A_27 : memref<72x128xi32, #tpu.memory_space<hbm>>) target(%arg7 : memref<72x128xi32, #tpu.memory_space<vmem>>) target_semaphore(%run_scoped3A : memref<!tpu.dma_semaphore, #tpu.memory_space<semaphore_mem>>)
      %dma_wait3A = arith.constant 0 : i32
      %dma_wait3A_28 = tpu.memref_slice %arg3[%select_n3A, %dma_wait3A] : memref<1344x128xi32, #tpu.memory_space<hbm>> -> memref<72x128xi32, #tpu.memory_space<hbm>>
      %dma_wait3A_29 = arith.constant 0 : i32
      %dma_wait3A_30 = tpu.memref_slice %arg3[%select_n3A, %dma_wait3A_29] : memref<1344x128xi32, #tpu.memory_space<hbm>> -> memref<72x128xi32, #tpu.memory_space<hbm>>
      tpu.wait_dma2 semaphore(%run_scoped3A : memref<!tpu.dma_semaphore, #tpu.memory_space<semaphore_mem>>) src(%dma_wait3A_30 : memref<72x128xi32, #tpu.memory_space<hbm>>) dst(%arg7 : memref<72x128xi32, #tpu.memory_space<vmem>>)
      tpu.yield
    }) : () -> ()
    "tpu.region"() ({
      %run_scoped3A = tpu.sem_alloc : memref<!tpu.dma_semaphore, #tpu.memory_space<semaphore_mem>>
      %dma_start3A = arith.constant 0 : i32
      %dma_start3A_25 = tpu.memref_slice %arg4[%select_n3A, %dma_start3A] : memref<1344x128xi32, #tpu.memory_space<hbm>> -> memref<72x128xi32, #tpu.memory_space<hbm>>
      %dma_start3A_26 = arith.constant 0 : i32
      %dma_start3A_27 = tpu.memref_slice %arg4[%select_n3A, %dma_start3A_26] : memref<1344x128xi32, #tpu.memory_space<hbm>> -> memref<72x128xi32, #tpu.memory_space<hbm>>
      tpu.enqueue_dma source(%dma_start3A_27 : memref<72x128xi32, #tpu.memory_space<hbm>>) target(%arg8 : memref<72x128xi32, #tpu.memory_space<vmem>>) target_semaphore(%run_scoped3A : memref<!tpu.dma_semaphore, #tpu.memory_space<semaphore_mem>>)
      %dma_wait3A = arith.constant 0 : i32
      %dma_wait3A_28 = tpu.memref_slice %arg4[%select_n3A, %dma_wait3A] : memref<1344x128xi32, #tpu.memory_space<hbm>> -> memref<72x128xi32, #tpu.memory_space<hbm>>
      %dma_wait3A_29 = arith.constant 0 : i32
      %dma_wait3A_30 = tpu.memref_slice %arg4[%select_n3A, %dma_wait3A_29] : memref<1344x128xi32, #tpu.memory_space<hbm>> -> memref<72x128xi32, #tpu.memory_space<hbm>>
      tpu.wait_dma2 semaphore(%run_scoped3A : memref<!tpu.dma_semaphore, #tpu.memory_space<semaphore_mem>>) src(%dma_wait3A_30 : memref<72x128xi32, #tpu.memory_space<hbm>>) dst(%arg8 : memref<72x128xi32, #tpu.memory_space<vmem>>)
      tpu.yield
    }) : () -> ()
    %mul3A_9 = arith.constant 640 : i32
    %mul3A_10 = arith.muli %arg1, %mul3A_9 : i32
    "tpu.region"() ({
      %run_scoped3A = tpu.sem_alloc : memref<!tpu.dma_semaphore, #tpu.memory_space<semaphore_mem>>
      %dma_start3A = arith.constant 0 : i32
      %dma_start3A_25 = tpu.memref_slice %arg10[%mul3A_10, %dma_start3A] : memref<10240x128xf32, #tpu.memory_space<vmem_shared>> -> memref<640x128xf32, #tpu.memory_space<vmem_shared>>
      tpu.enqueue_dma source(%arg5 : memref<640x128xf32, #tpu.memory_space<hbm>>) target(%dma_start3A_25 : memref<640x128xf32, #tpu.memory_space<vmem_shared>>) target_semaphore(%run_scoped3A : memref<!tpu.dma_semaphore, #tpu.memory_space<semaphore_mem>>)
      %dma_wait3A = arith.constant 0 : i32
      %dma_wait3A_26 = tpu.memref_slice %arg10[%mul3A_10, %dma_wait3A] : memref<10240x128xf32, #tpu.memory_space<vmem_shared>> -> memref<640x128xf32, #tpu.memory_space<vmem_shared>>
      tpu.wait_dma2 semaphore(%run_scoped3A : memref<!tpu.dma_semaphore, #tpu.memory_space<semaphore_mem>>) src(%arg5 : memref<640x128xf32, #tpu.memory_space<hbm>>) dst(%dma_wait3A_26 : memref<640x128xf32, #tpu.memory_space<vmem_shared>>)
      tpu.yield
    }) : () -> ()
    %barrier3A = arith.constant 0 : index
    tpu.barrier barrier_id(%barrier3A)
    %while3A = arith.constant 0 : i32
    %while3A_11 = arith.constant 0 : i32
    %while3A_12 = arith.subi %select_n3A_8, %while3A_11 : i32
    %while3A_13 = arith.addi %while3A_11, %while3A_12 : i32
    %while3A_14 = arith.constant 1 : i32
    %while3A_15 = arith.divsi %while3A_12, %while3A_14 : i32
    %while3A_16 = arith.muli %while3A_15, %while3A_14 : i32
    %while3A_17 = arith.addi %while3A_11, %while3A_16 : i32
    %while3A_18 = arith.constant 1 : i32
    scf.for %while3A_25 = %while3A_11 to %while3A_17 step %while3A_18  : i32 {
      %dma_start3A = arith.constant 0 : i32
      %dma_start3A_26 = tpu.memref_slice %arg7[%while3A_25, %dma_start3A] : memref<72x128xi32, #tpu.memory_space<vmem>> -> memref<1x128xi32, #tpu.memory_space<vmem>>
      %dma_start3A_27 = tpu.memref_squeeze %dma_start3A_26 : memref<1x128xi32, #tpu.memory_space<vmem>> -> memref<128xi32, #tpu.memory_space<vmem>>
      %dma_start3A_28 = arith.constant 0 : i32
      %dma_start3A_29 = arith.constant 0 : i32
      %dma_start3A_30 = tpu.memref_slice %arg2[%dma_start3A_28, %dma_start3A_29] : memref<10000x128xf32, #tpu.memory_space<hbm>> -> memref<10000x128xf32, #tpu.memory_space<hbm>>
      tpu.enqueue_indirect_dma source(%dma_start3A_30 : memref<10000x128xf32, #tpu.memory_space<hbm>>) target(%arg9 : memref<128x128xf32, #tpu.memory_space<vmem>>) offsets(%dma_start3A_27 : memref<128xi32, #tpu.memory_space<vmem>>) semaphore(%arg11 : memref<!tpu.dma_semaphore, #tpu.memory_space<semaphore_mem>>)
      %dma_wait3A = arith.constant 0 : i32
      %dma_wait3A_31 = tpu.memref_slice %arg7[%while3A_25, %dma_wait3A] : memref<72x128xi32, #tpu.memory_space<vmem>> -> memref<1x128xi32, #tpu.memory_space<vmem>>
      %dma_wait3A_32 = tpu.memref_squeeze %dma_wait3A_31 : memref<1x128xi32, #tpu.memory_space<vmem>> -> memref<128xi32, #tpu.memory_space<vmem>>
      %dma_wait3A_33 = arith.constant 0 : i32
      %dma_wait3A_34 = arith.constant 0 : i32
      %dma_wait3A_35 = tpu.memref_slice %arg2[%dma_wait3A_33, %dma_wait3A_34] : memref<10000x128xf32, #tpu.memory_space<hbm>> -> memref<10000x128xf32, #tpu.memory_space<hbm>>
      tpu.wait_indirect_dma semaphore(%arg11 : memref<!tpu.dma_semaphore, #tpu.memory_space<semaphore_mem>>) src(%dma_wait3A_35 : memref<10000x128xf32, #tpu.memory_space<hbm>>) dst(%arg9 : memref<128x128xf32, #tpu.memory_space<vmem>>)
      "tpu.region"() ({
        %run_scoped3A = tpu.sem_alloc : memref<!tpu.dma_semaphore, #tpu.memory_space<semaphore_mem>>
        %dma_start3A_36 = arith.constant 0 : i32
        %dma_start3A_37 = tpu.memref_slice %arg8[%while3A_25, %dma_start3A_36] : memref<72x128xi32, #tpu.memory_space<vmem>> -> memref<1x128xi32, #tpu.memory_space<vmem>>
        %dma_start3A_38 = tpu.memref_squeeze %dma_start3A_37 : memref<1x128xi32, #tpu.memory_space<vmem>> -> memref<128xi32, #tpu.memory_space<vmem>>
        %dma_start3A_39 = arith.constant 0 : i32
        %dma_start3A_40 = arith.constant 0 : i32
        %dma_start3A_41 = tpu.memref_slice %arg10[%dma_start3A_39, %dma_start3A_40] : memref<10240x128xf32, #tpu.memory_space<vmem_shared>> -> memref<10240x128xf32, #tpu.memory_space<vmem_shared>>
        tpu.enqueue_indirect_dma source(%arg9 : memref<128x128xf32, #tpu.memory_space<vmem>>) target(%dma_start3A_41 : memref<10240x128xf32, #tpu.memory_space<vmem_shared>>) offsets(%dma_start3A_38 : memref<128xi32, #tpu.memory_space<vmem>>) semaphore(%run_scoped3A : memref<!tpu.dma_semaphore, #tpu.memory_space<semaphore_mem>>) {add = true}
        %dma_wait3A_42 = arith.constant 0 : i32
        %dma_wait3A_43 = tpu.memref_slice %arg8[%while3A_25, %dma_wait3A_42] : memref<72x128xi32, #tpu.memory_space<vmem>> -> memref<1x128xi32, #tpu.memory_space<vmem>>
        %dma_wait3A_44 = tpu.memref_squeeze %dma_wait3A_43 : memref<1x128xi32, #tpu.memory_space<vmem>> -> memref<128xi32, #tpu.memory_space<vmem>>
        %dma_wait3A_45 = arith.constant 0 : i32
        %dma_wait3A_46 = arith.constant 0 : i32
        %dma_wait3A_47 = tpu.memref_slice %arg10[%dma_wait3A_45, %dma_wait3A_46] : memref<10240x128xf32, #tpu.memory_space<vmem_shared>> -> memref<10240x128xf32, #tpu.memory_space<vmem_shared>>
        tpu.wait_indirect_dma semaphore(%run_scoped3A : memref<!tpu.dma_semaphore, #tpu.memory_space<semaphore_mem>>) src(%arg9 : memref<128x128xf32, #tpu.memory_space<vmem>>) dst(%dma_wait3A_47 : memref<10240x128xf32, #tpu.memory_space<vmem_shared>>)
        tpu.yield
      }) : () -> ()
    }
    %while3A_19 = arith.constant 1 : i32
    scf.for %while3A_25 = %while3A_17 to %while3A_13 step %while3A_19  : i32 {
      %dma_start3A = arith.constant 0 : i32
      %dma_start3A_26 = tpu.memref_slice %arg7[%while3A_25, %dma_start3A] : memref<72x128xi32, #tpu.memory_space<vmem>> -> memref<1x128xi32, #tpu.memory_space<vmem>>
      %dma_start3A_27 = tpu.memref_squeeze %dma_start3A_26 : memref<1x128xi32, #tpu.memory_space<vmem>> -> memref<128xi32, #tpu.memory_space<vmem>>
      %dma_start3A_28 = arith.constant 0 : i32
      %dma_start3A_29 = arith.constant 0 : i32
      %dma_start3A_30 = tpu.memref_slice %arg2[%dma_start3A_28, %dma_start3A_29] : memref<10000x128xf32, #tpu.memory_space<hbm>> -> memref<10000x128xf32, #tpu.memory_space<hbm>>
      tpu.enqueue_indirect_dma source(%dma_start3A_30 : memref<10000x128xf32, #tpu.memory_space<hbm>>) target(%arg9 : memref<128x128xf32, #tpu.memory_space<vmem>>) offsets(%dma_start3A_27 : memref<128xi32, #tpu.memory_space<vmem>>) semaphore(%arg11 : memref<!tpu.dma_semaphore, #tpu.memory_space<semaphore_mem>>)
      %dma_wait3A = arith.constant 0 : i32
      %dma_wait3A_31 = tpu.memref_slice %arg7[%while3A_25, %dma_wait3A] : memref<72x128xi32, #tpu.memory_space<vmem>> -> memref<1x128xi32, #tpu.memory_space<vmem>>
      %dma_wait3A_32 = tpu.memref_squeeze %dma_wait3A_31 : memref<1x128xi32, #tpu.memory_space<vmem>> -> memref<128xi32, #tpu.memory_space<vmem>>
      %dma_wait3A_33 = arith.constant 0 : i32
      %dma_wait3A_34 = arith.constant 0 : i32
      %dma_wait3A_35 = tpu.memref_slice %arg2[%dma_wait3A_33, %dma_wait3A_34] : memref<10000x128xf32, #tpu.memory_space<hbm>> -> memref<10000x128xf32, #tpu.memory_space<hbm>>
      tpu.wait_indirect_dma semaphore(%arg11 : memref<!tpu.dma_semaphore, #tpu.memory_space<semaphore_mem>>) src(%dma_wait3A_35 : memref<10000x128xf32, #tpu.memory_space<hbm>>) dst(%arg9 : memref<128x128xf32, #tpu.memory_space<vmem>>)
      "tpu.region"() ({
        %run_scoped3A = tpu.sem_alloc : memref<!tpu.dma_semaphore, #tpu.memory_space<semaphore_mem>>
        %dma_start3A_36 = arith.constant 0 : i32
        %dma_start3A_37 = tpu.memref_slice %arg8[%while3A_25, %dma_start3A_36] : memref<72x128xi32, #tpu.memory_space<vmem>> -> memref<1x128xi32, #tpu.memory_space<vmem>>
        %dma_start3A_38 = tpu.memref_squeeze %dma_start3A_37 : memref<1x128xi32, #tpu.memory_space<vmem>> -> memref<128xi32, #tpu.memory_space<vmem>>
        %dma_start3A_39 = arith.constant 0 : i32
        %dma_start3A_40 = arith.constant 0 : i32
        %dma_start3A_41 = tpu.memref_slice %arg10[%dma_start3A_39, %dma_start3A_40] : memref<10240x128xf32, #tpu.memory_space<vmem_shared>> -> memref<10240x128xf32, #tpu.memory_space<vmem_shared>>
        tpu.enqueue_indirect_dma source(%arg9 : memref<128x128xf32, #tpu.memory_space<vmem>>) target(%dma_start3A_41 : memref<10240x128xf32, #tpu.memory_space<vmem_shared>>) offsets(%dma_start3A_38 : memref<128xi32, #tpu.memory_space<vmem>>) semaphore(%run_scoped3A : memref<!tpu.dma_semaphore, #tpu.memory_space<semaphore_mem>>) {add = true}
        %dma_wait3A_42 = arith.constant 0 : i32
        %dma_wait3A_43 = tpu.memref_slice %arg8[%while3A_25, %dma_wait3A_42] : memref<72x128xi32, #tpu.memory_space<vmem>> -> memref<1x128xi32, #tpu.memory_space<vmem>>
        %dma_wait3A_44 = tpu.memref_squeeze %dma_wait3A_43 : memref<1x128xi32, #tpu.memory_space<vmem>> -> memref<128xi32, #tpu.memory_space<vmem>>
        %dma_wait3A_45 = arith.constant 0 : i32
        %dma_wait3A_46 = arith.constant 0 : i32
        %dma_wait3A_47 = tpu.memref_slice %arg10[%dma_wait3A_45, %dma_wait3A_46] : memref<10240x128xf32, #tpu.memory_space<vmem_shared>> -> memref<10240x128xf32, #tpu.memory_space<vmem_shared>>
        tpu.wait_indirect_dma semaphore(%run_scoped3A : memref<!tpu.dma_semaphore, #tpu.memory_space<semaphore_mem>>) src(%arg9 : memref<128x128xf32, #tpu.memory_space<vmem>>) dst(%dma_wait3A_47 : memref<10240x128xf32, #tpu.memory_space<vmem_shared>>)
        tpu.yield
      }) : () -> ()
    }
    %barrier3A_20 = arith.constant 0 : index
    tpu.barrier barrier_id(%barrier3A_20)
    %mul3A_21 = arith.constant 640 : i32
    %mul3A_22 = arith.muli %arg1, %mul3A_21 : i32
    %mul3A_23 = arith.constant 640 : i32
    %mul3A_24 = arith.muli %arg1, %mul3A_23 : i32
    "tpu.region"() ({
      %run_scoped3A = tpu.sem_alloc : memref<!tpu.dma_semaphore, #tpu.memory_space<semaphore_mem>>
      %dma_start3A = arith.constant 0 : i32
      %dma_start3A_25 = tpu.memref_slice %arg6[%arg0, %mul3A_24, %dma_start3A] : memref<2x10240x128xf32, #tpu.memory_space<hbm>> -> memref<1x640x128xf32, #tpu.memory_space<hbm>>
      %dma_start3A_26 = tpu.memref_squeeze %dma_start3A_25 : memref<1x640x128xf32, #tpu.memory_space<hbm>> -> memref<640x128xf32, #tpu.memory_space<hbm>>
      %dma_start3A_27 = arith.constant 0 : i32
      %dma_start3A_28 = tpu.memref_slice %arg10[%mul3A_22, %dma_start3A_27] : memref<10240x128xf32, #tpu.memory_space<vmem_shared>> -> memref<640x128xf32, #tpu.memory_space<vmem_shared>>
      tpu.enqueue_dma source(%dma_start3A_28 : memref<640x128xf32, #tpu.memory_space<vmem_shared>>) target(%dma_start3A_26 : memref<640x128xf32, #tpu.memory_space<hbm>>) target_semaphore(%run_scoped3A : memref<!tpu.dma_semaphore, #tpu.memory_space<semaphore_mem>>)
      %dma_wait3A = arith.constant 0 : i32
      %dma_wait3A_29 = tpu.memref_slice %arg6[%arg0, %mul3A_24, %dma_wait3A] : memref<2x10240x128xf32, #tpu.memory_space<hbm>> -> memref<1x640x128xf32, #tpu.memory_space<hbm>>
      %dma_wait3A_30 = tpu.memref_squeeze %dma_wait3A_29 : memref<1x640x128xf32, #tpu.memory_space<hbm>> -> memref<640x128xf32, #tpu.memory_space<hbm>>
      %dma_wait3A_31 = arith.constant 0 : i32
      %dma_wait3A_32 = tpu.memref_slice %arg10[%mul3A_22, %dma_wait3A_31] : memref<10240x128xf32, #tpu.memory_space<vmem_shared>> -> memref<640x128xf32, #tpu.memory_space<vmem_shared>>
      tpu.wait_dma2 semaphore(%run_scoped3A : memref<!tpu.dma_semaphore, #tpu.memory_space<semaphore_mem>>) src(%dma_wait3A_32 : memref<640x128xf32, #tpu.memory_space<vmem_shared>>) dst(%dma_wait3A_30 : memref<640x128xf32, #tpu.memory_space<hbm>>)
      tpu.yield
    }) : () -> ()
    return
  }
}

#map = affine_map<(d0, d1) -> (0, 0)>
#map1 = affine_map<(d0, d1) -> (0, 0, 0)>
module attributes {stable_mosaic.version = 14 : i64} {
  func.func @deg_kernel(%arg0: i32, %arg1: i32, %arg2: memref<1344x128xi32, #tpu.memory_space<hbm>>, %arg3: memref<128x128xf32, #tpu.memory_space<hbm>>, %arg4: memref<640x128xf32, #tpu.memory_space<hbm>>, %arg5: memref<2x10240x128xf32, #tpu.memory_space<hbm>>, %arg6: memref<40x128xi32, #tpu.memory_space<vmem>>, %arg7: memref<128x128xf32, #tpu.memory_space<vmem>>, %arg8: memref<10240x128xf32, #tpu.memory_space<vmem_shared>>) attributes {dimension_semantics = [#tpu.dimension_semantics<core_parallel>, #tpu.dimension_semantics<subcore_parallel>], iteration_bounds = array<i64: 2, 16>, scalar_prefetch = 0 : i64, scratch_operands = 3 : i64, tpu.core_type = #tpu.core_type<sc_vector_subcore>, window_params = [{transform_indices = #map}, {transform_indices = #map}, {transform_indices = #map}, {transform_indices = #map1}]} {
    %mul3A = arith.constant 16 : i32
    %mul3A_0 = arith.muli %arg0, %mul3A : i32
    %add3A = arith.addi %mul3A_0, %arg1 : i32
    "tpu.region"() ({
      %run_scoped3A = tpu.sem_alloc : memref<!tpu.dma_semaphore, #tpu.memory_space<semaphore_mem>>
      tpu.enqueue_dma source(%arg3 : memref<128x128xf32, #tpu.memory_space<hbm>>) target(%arg7 : memref<128x128xf32, #tpu.memory_space<vmem>>) target_semaphore(%run_scoped3A : memref<!tpu.dma_semaphore, #tpu.memory_space<semaphore_mem>>)
      tpu.wait_dma2 semaphore(%run_scoped3A : memref<!tpu.dma_semaphore, #tpu.memory_space<semaphore_mem>>) src(%arg3 : memref<128x128xf32, #tpu.memory_space<hbm>>) dst(%arg7 : memref<128x128xf32, #tpu.memory_space<vmem>>)
      tpu.yield
    }) : () -> ()
    %mul3A_1 = arith.constant 40 : i32
    %mul3A_2 = arith.muli %add3A, %mul3A_1 : i32
    "tpu.region"() ({
      %run_scoped3A = tpu.sem_alloc : memref<!tpu.dma_semaphore, #tpu.memory_space<semaphore_mem>>
      %dma_start3A = arith.constant 0 : i32
      %dma_start3A_15 = tpu.memref_slice %arg2[%mul3A_2, %dma_start3A] : memref<1344x128xi32, #tpu.memory_space<hbm>> -> memref<40x128xi32, #tpu.memory_space<hbm>>
      %dma_start3A_16 = arith.constant 0 : i32
      %dma_start3A_17 = tpu.memref_slice %arg2[%mul3A_2, %dma_start3A_16] : memref<1344x128xi32, #tpu.memory_space<hbm>> -> memref<40x128xi32, #tpu.memory_space<hbm>>
      tpu.enqueue_dma source(%dma_start3A_17 : memref<40x128xi32, #tpu.memory_space<hbm>>) target(%arg6 : memref<40x128xi32, #tpu.memory_space<vmem>>) target_semaphore(%run_scoped3A : memref<!tpu.dma_semaphore, #tpu.memory_space<semaphore_mem>>)
      %dma_wait3A = arith.constant 0 : i32
      %dma_wait3A_18 = tpu.memref_slice %arg2[%mul3A_2, %dma_wait3A] : memref<1344x128xi32, #tpu.memory_space<hbm>> -> memref<40x128xi32, #tpu.memory_space<hbm>>
      %dma_wait3A_19 = arith.constant 0 : i32
      %dma_wait3A_20 = tpu.memref_slice %arg2[%mul3A_2, %dma_wait3A_19] : memref<1344x128xi32, #tpu.memory_space<hbm>> -> memref<40x128xi32, #tpu.memory_space<hbm>>
      tpu.wait_dma2 semaphore(%run_scoped3A : memref<!tpu.dma_semaphore, #tpu.memory_space<semaphore_mem>>) src(%dma_wait3A_20 : memref<40x128xi32, #tpu.memory_space<hbm>>) dst(%arg6 : memref<40x128xi32, #tpu.memory_space<vmem>>)
      tpu.yield
    }) : () -> ()
    %mul3A_3 = arith.constant 640 : i32
    %mul3A_4 = arith.muli %arg1, %mul3A_3 : i32
    "tpu.region"() ({
      %run_scoped3A = tpu.sem_alloc : memref<!tpu.dma_semaphore, #tpu.memory_space<semaphore_mem>>
      %dma_start3A = arith.constant 0 : i32
      %dma_start3A_15 = tpu.memref_slice %arg8[%mul3A_4, %dma_start3A] : memref<10240x128xf32, #tpu.memory_space<vmem_shared>> -> memref<640x128xf32, #tpu.memory_space<vmem_shared>>
      tpu.enqueue_dma source(%arg4 : memref<640x128xf32, #tpu.memory_space<hbm>>) target(%dma_start3A_15 : memref<640x128xf32, #tpu.memory_space<vmem_shared>>) target_semaphore(%run_scoped3A : memref<!tpu.dma_semaphore, #tpu.memory_space<semaphore_mem>>)
      %dma_wait3A = arith.constant 0 : i32
      %dma_wait3A_16 = tpu.memref_slice %arg8[%mul3A_4, %dma_wait3A] : memref<10240x128xf32, #tpu.memory_space<vmem_shared>> -> memref<640x128xf32, #tpu.memory_space<vmem_shared>>
      tpu.wait_dma2 semaphore(%run_scoped3A : memref<!tpu.dma_semaphore, #tpu.memory_space<semaphore_mem>>) src(%arg4 : memref<640x128xf32, #tpu.memory_space<hbm>>) dst(%dma_wait3A_16 : memref<640x128xf32, #tpu.memory_space<vmem_shared>>)
      tpu.yield
    }) : () -> ()
    %barrier3A = arith.constant 0 : index
    tpu.barrier barrier_id(%barrier3A)
    %scan3A = arith.constant 0 : i32
    %scan3A_5 = arith.constant 0 : i32
    %scan3A_6 = arith.constant 40 : i32
    %scan3A_7 = arith.addi %scan3A_5, %scan3A_6 : i32
    %scan3A_8 = arith.constant 1 : i32
    scf.for %scan3A_15 = %scan3A_5 to %scan3A_7 step %scan3A_8  : i32 {
      "tpu.region"() ({
        %run_scoped3A = tpu.sem_alloc : memref<!tpu.dma_semaphore, #tpu.memory_space<semaphore_mem>>
        %dma_start3A = arith.constant 0 : i32
        %dma_start3A_16 = tpu.memref_slice %arg6[%scan3A_15, %dma_start3A] : memref<40x128xi32, #tpu.memory_space<vmem>> -> memref<1x128xi32, #tpu.memory_space<vmem>>
        %dma_start3A_17 = tpu.memref_squeeze %dma_start3A_16 : memref<1x128xi32, #tpu.memory_space<vmem>> -> memref<128xi32, #tpu.memory_space<vmem>>
        %dma_start3A_18 = arith.constant 0 : i32
        %dma_start3A_19 = arith.constant 0 : i32
        %dma_start3A_20 = tpu.memref_slice %arg8[%dma_start3A_18, %dma_start3A_19] : memref<10240x128xf32, #tpu.memory_space<vmem_shared>> -> memref<10240x128xf32, #tpu.memory_space<vmem_shared>>
        tpu.enqueue_indirect_dma source(%arg7 : memref<128x128xf32, #tpu.memory_space<vmem>>) target(%dma_start3A_20 : memref<10240x128xf32, #tpu.memory_space<vmem_shared>>) offsets(%dma_start3A_17 : memref<128xi32, #tpu.memory_space<vmem>>) semaphore(%run_scoped3A : memref<!tpu.dma_semaphore, #tpu.memory_space<semaphore_mem>>) {add = true}
        %dma_wait3A = arith.constant 0 : i32
        %dma_wait3A_21 = tpu.memref_slice %arg6[%scan3A_15, %dma_wait3A] : memref<40x128xi32, #tpu.memory_space<vmem>> -> memref<1x128xi32, #tpu.memory_space<vmem>>
        %dma_wait3A_22 = tpu.memref_squeeze %dma_wait3A_21 : memref<1x128xi32, #tpu.memory_space<vmem>> -> memref<128xi32, #tpu.memory_space<vmem>>
        %dma_wait3A_23 = arith.constant 0 : i32
        %dma_wait3A_24 = arith.constant 0 : i32
        %dma_wait3A_25 = tpu.memref_slice %arg8[%dma_wait3A_23, %dma_wait3A_24] : memref<10240x128xf32, #tpu.memory_space<vmem_shared>> -> memref<10240x128xf32, #tpu.memory_space<vmem_shared>>
        tpu.wait_indirect_dma semaphore(%run_scoped3A : memref<!tpu.dma_semaphore, #tpu.memory_space<semaphore_mem>>) src(%arg7 : memref<128x128xf32, #tpu.memory_space<vmem>>) dst(%dma_wait3A_25 : memref<10240x128xf32, #tpu.memory_space<vmem_shared>>)
        tpu.yield
      }) : () -> ()
    }
    %scan3A_9 = arith.constant 40 : i32
    %barrier3A_10 = arith.constant 0 : index
    tpu.barrier barrier_id(%barrier3A_10)
    %mul3A_11 = arith.constant 640 : i32
    %mul3A_12 = arith.muli %arg1, %mul3A_11 : i32
    %mul3A_13 = arith.constant 640 : i32
    %mul3A_14 = arith.muli %arg1, %mul3A_13 : i32
    "tpu.region"() ({
      %run_scoped3A = tpu.sem_alloc : memref<!tpu.dma_semaphore, #tpu.memory_space<semaphore_mem>>
      %dma_start3A = arith.constant 0 : i32
      %dma_start3A_15 = tpu.memref_slice %arg5[%arg0, %mul3A_14, %dma_start3A] : memref<2x10240x128xf32, #tpu.memory_space<hbm>> -> memref<1x640x128xf32, #tpu.memory_space<hbm>>
      %dma_start3A_16 = tpu.memref_squeeze %dma_start3A_15 : memref<1x640x128xf32, #tpu.memory_space<hbm>> -> memref<640x128xf32, #tpu.memory_space<hbm>>
      %dma_start3A_17 = arith.constant 0 : i32
      %dma_start3A_18 = tpu.memref_slice %arg8[%mul3A_12, %dma_start3A_17] : memref<10240x128xf32, #tpu.memory_space<vmem_shared>> -> memref<640x128xf32, #tpu.memory_space<vmem_shared>>
      tpu.enqueue_dma source(%dma_start3A_18 : memref<640x128xf32, #tpu.memory_space<vmem_shared>>) target(%dma_start3A_16 : memref<640x128xf32, #tpu.memory_space<hbm>>) target_semaphore(%run_scoped3A : memref<!tpu.dma_semaphore, #tpu.memory_space<semaphore_mem>>)
      %dma_wait3A = arith.constant 0 : i32
      %dma_wait3A_19 = tpu.memref_slice %arg5[%arg0, %mul3A_14, %dma_wait3A] : memref<2x10240x128xf32, #tpu.memory_space<hbm>> -> memref<1x640x128xf32, #tpu.memory_space<hbm>>
      %dma_wait3A_20 = tpu.memref_squeeze %dma_wait3A_19 : memref<1x640x128xf32, #tpu.memory_space<hbm>> -> memref<640x128xf32, #tpu.memory_space<hbm>>
      %dma_wait3A_21 = arith.constant 0 : i32
      %dma_wait3A_22 = tpu.memref_slice %arg8[%mul3A_12, %dma_wait3A_21] : memref<10240x128xf32, #tpu.memory_space<vmem_shared>> -> memref<640x128xf32, #tpu.memory_space<vmem_shared>>
      tpu.wait_dma2 semaphore(%run_scoped3A : memref<!tpu.dma_semaphore, #tpu.memory_space<semaphore_mem>>) src(%dma_wait3A_22 : memref<640x128xf32, #tpu.memory_space<vmem_shared>>) dst(%dma_wait3A_20 : memref<640x128xf32, #tpu.memory_space<hbm>>)
      tpu.yield
    }) : () -> ()
    return
  }
}

module attributes {stable_mosaic.version = 14 : i64} {
  func.func @body(%arg0: i32, %arg1: memref<1000x128xf32, #tpu.memory_space<vmem>>, %arg2: memref<2x1000x128xf32, #tpu.memory_space<vmem>>, %arg3: memref<128x128xf32, #tpu.memory_space<vmem>>, %arg4: memref<1x128xf32, #tpu.memory_space<vmem>>, %arg5: memref<1000x128xf32, #tpu.memory_space<vmem>>, %arg6: memref<1000x128xf32, #tpu.memory_space<vmem>>) attributes {dimension_semantics = [#tpu.dimension_semantics<arbitrary>], iteration_bounds = array<i64: 10>, scalar_prefetch = 0 : i64, scratch_operands = 0 : i64, tpu.core_type = #tpu.core_type<tc>, window_params = [{transform_indices = @transform_0, window_bounds = array<i64: 1000, 128>}, {transform_indices = @transform_1, window_bounds = array<i64: 2, 1000, 128>}, {pipeline_mode = #tpu.pipeline_mode<synchronous>, transform_indices = @transform_2, window_bounds = array<i64: 128, 128>}, {pipeline_mode = #tpu.pipeline_mode<synchronous>, transform_indices = @transform_3, window_bounds = array<i64: 1, 128>}, {transform_indices = @transform_4, window_bounds = array<i64: 1000, 128>}, {transform_indices = @transform_5, window_bounds = array<i64: 1000, 128>}]} {
    %get3A = arith.constant 0 : index
    %get3A_0 = arith.constant 0 : index
    %get3A_1 = vector.load %arg1[%get3A, %get3A_0] : memref<1000x128xf32, #tpu.memory_space<vmem>>, vector<1000x128xf32>
    %get3A_2 = arith.constant 0 : index
    %get3A_3 = arith.constant 0 : index
    %get3A_4 = vector.load %arg3[%get3A_2, %get3A_3] : memref<128x128xf32, #tpu.memory_space<vmem>>, vector<128x128xf32>
    %dot_general3A = arith.constant dense<0.000000e+00> : vector<1000x128xf32>
    %dot_general3A_5 = tpu.matmul %get3A_1, %get3A_4, %dot_general3A {dimension_numbers = #tpu.dot_dimension_numbers<[1], [0], [0], [1], [0, 0, 1, 1], [], []>, transpose_lhs_hint = false} : vector<1000x128xf32>, vector<128x128xf32>, vector<1000x128xf32> -> vector<1000x128xf32>
    %get3A_6 = arith.constant 0 : index
    %get3A_7 = arith.constant 0 : index
    %get3A_8 = vector.load %arg4[%get3A_6, %get3A_7] : memref<1x128xf32, #tpu.memory_space<vmem>>, vector<1x128xf32>
    %add3A = vector.broadcast %get3A_8 : vector<1x128xf32> to vector<1000x128xf32>
    %add3A_9 = arith.addf %dot_general3A_5, %add3A : vector<1000x128xf32>
    %get3A_10 = arith.constant 0 : index
    %get3A_11 = arith.constant 0 : index
    %get3A_12 = arith.constant 0 : index
    %get3A_13 = vector.load %arg2[%get3A_10, %get3A_11, %get3A_12] : memref<2x1000x128xf32, #tpu.memory_space<vmem>>, vector<1x1000x1xf32>
    %get3A_14 = vector.shape_cast %get3A_13 : vector<1x1000x1xf32> to vector<1000x1xf32>
    %get3A_15 = arith.constant 1 : index
    %get3A_16 = arith.constant 0 : index
    %get3A_17 = arith.constant 0 : index
    %get3A_18 = vector.load %arg2[%get3A_15, %get3A_16, %get3A_17] : memref<2x1000x128xf32, #tpu.memory_space<vmem>>, vector<1x1000x1xf32>
    %get3A_19 = vector.shape_cast %get3A_18 : vector<1x1000x1xf32> to vector<1000x1xf32>
    %add3A_20 = arith.addf %get3A_14, %get3A_19 : vector<1000x1xf32>
    %add3A_21 = arith.constant 1.000000e+00 : f32
    %add3A_22 = vector.broadcast %add3A_21 : f32 to vector<1000x1xf32>
    %add3A_23 = arith.addf %add3A_20, %add3A_22 : vector<1000x1xf32>
    %rsqrt3A = math.rsqrt %add3A_23 : vector<1000x1xf32>
    %swap3A = arith.constant 0 : index
    %swap3A_24 = arith.constant 0 : index
    %swap3A_25 = vector.load %arg5[%swap3A, %swap3A_24] : memref<1000x128xf32, #tpu.memory_space<vmem>>, vector<1000x128xf32>
    tpu.vector_store %arg5[%swap3A, %swap3A_24], %add3A_9 {strides = array<i32>} : memref<1000x128xf32, #tpu.memory_space<vmem>>, vector<1000x128xf32>,
    %mul3A = vector.broadcast %rsqrt3A : vector<1000x1xf32> to vector<1000x128xf32>
    %mul3A_26 = arith.mulf %add3A_9, %mul3A : vector<1000x128xf32>
    %swap3A_27 = arith.constant 0 : index
    %swap3A_28 = arith.constant 0 : index
    %swap3A_29 = vector.load %arg6[%swap3A_27, %swap3A_28] : memref<1000x128xf32, #tpu.memory_space<vmem>>, vector<1000x128xf32>
    tpu.vector_store %arg6[%swap3A_27, %swap3A_28], %mul3A_26 {strides = array<i32>} : memref<1000x128xf32, #tpu.memory_space<vmem>>, vector<1000x128xf32>,
    return
  }
  func.func @transform_0(%arg0: i32) -> (i32, i32) {
    %c0_i32 = arith.constant 0 : i32
    %c0_i32_0 = arith.constant 0 : i32
    return %arg0, %c0_i32 : i32, i32
  }
  func.func @transform_1(%arg0: i32) -> (i32, i32, i32) {
    %c0_i32 = arith.constant 0 : i32
    %c0_i32_0 = arith.constant 0 : i32
    %c0_i32_1 = arith.constant 0 : i32
    return %c0_i32, %arg0, %c0_i32_0 : i32, i32, i32
  }
  func.func @transform_2(%arg0: i32) -> (i32, i32) {
    %c0_i32 = arith.constant 0 : i32
    %c0_i32_0 = arith.constant 0 : i32
    %c0_i32_1 = arith.constant 0 : i32
    return %c0_i32, %c0_i32_0 : i32, i32
  }
  func.func @transform_3(%arg0: i32) -> (i32, i32) {
    %c0_i32 = arith.constant 0 : i32
    %c0_i32_0 = arith.constant 0 : i32
    %c0_i32_1 = arith.constant 0 : i32
    return %c0_i32, %c0_i32_0 : i32, i32
  }
  func.func @transform_4(%arg0: i32) -> (i32, i32) {
    %c0_i32 = arith.constant 0 : i32
    %c0_i32_0 = arith.constant 0 : i32
    return %arg0, %c0_i32 : i32, i32
  }
  func.func @transform_5(%arg0: i32) -> (i32, i32) {
    %c0_i32 = arith.constant 0 : i32
    %c0_i32_0 = arith.constant 0 : i32
    return %arg0, %c0_i32 : i32, i32
  }
}

module attributes {stable_mosaic.version = 14 : i64} {
  func.func @body(%arg0: i32, %arg1: memref<1000x128xf32, #tpu.memory_space<vmem>>, %arg2: memref<2x1000x128xf32, #tpu.memory_space<vmem>>, %arg3: memref<2x1000x128xf32, #tpu.memory_space<vmem>>, %arg4: memref<128x128xf32, #tpu.memory_space<vmem>>, %arg5: memref<128x128xf32, #tpu.memory_space<vmem>>, %arg6: memref<1x128xf32, #tpu.memory_space<vmem>>, %arg7: memref<1000x128xf32, #tpu.memory_space<vmem>>, %arg8: memref<1000x128xf32, #tpu.memory_space<vmem>>) attributes {dimension_semantics = [#tpu.dimension_semantics<arbitrary>], iteration_bounds = array<i64: 10>, scalar_prefetch = 0 : i64, scratch_operands = 0 : i64, tpu.core_type = #tpu.core_type<tc>, window_params = [{transform_indices = @transform_0, window_bounds = array<i64: 1000, 128>}, {transform_indices = @transform_1, window_bounds = array<i64: 2, 1000, 128>}, {transform_indices = @transform_2, window_bounds = array<i64: 2, 1000, 128>}, {pipeline_mode = #tpu.pipeline_mode<synchronous>, transform_indices = @transform_3, window_bounds = array<i64: 128, 128>}, {pipeline_mode = #tpu.pipeline_mode<synchronous>, transform_indices = @transform_4, window_bounds = array<i64: 128, 128>}, {pipeline_mode = #tpu.pipeline_mode<synchronous>, transform_indices = @transform_5, window_bounds = array<i64: 1, 128>}, {transform_indices = @transform_6, window_bounds = array<i64: 1000, 128>}, {transform_indices = @transform_7, window_bounds = array<i64: 1000, 128>}]} {
    %get3A = arith.constant 0 : index
    %get3A_0 = arith.constant 0 : index
    %get3A_1 = arith.constant 0 : index
    %get3A_2 = vector.load %arg3[%get3A, %get3A_0, %get3A_1] : memref<2x1000x128xf32, #tpu.memory_space<vmem>>, vector<1x1000x1xf32>
    %get3A_3 = vector.shape_cast %get3A_2 : vector<1x1000x1xf32> to vector<1000x1xf32>
    %get3A_4 = arith.constant 1 : index
    %get3A_5 = arith.constant 0 : index
    %get3A_6 = arith.constant 0 : index
    %get3A_7 = vector.load %arg3[%get3A_4, %get3A_5, %get3A_6] : memref<2x1000x128xf32, #tpu.memory_space<vmem>>, vector<1x1000x1xf32>
    %get3A_8 = vector.shape_cast %get3A_7 : vector<1x1000x1xf32> to vector<1000x1xf32>
    %add3A = arith.addf %get3A_3, %get3A_8 : vector<1000x1xf32>
    %add3A_9 = arith.constant 1.000000e+00 : f32
    %add3A_10 = vector.broadcast %add3A_9 : f32 to vector<1000x1xf32>
    %add3A_11 = arith.addf %add3A, %add3A_10 : vector<1000x1xf32>
    %rsqrt3A = math.rsqrt %add3A_11 : vector<1000x1xf32>
    %get3A_12 = arith.constant 0 : index
    %get3A_13 = arith.constant 0 : index
    %get3A_14 = arith.constant 0 : index
    %get3A_15 = vector.load %arg2[%get3A_12, %get3A_13, %get3A_14] : memref<2x1000x128xf32, #tpu.memory_space<vmem>>, vector<1x1000x128xf32>
    %get3A_16 = vector.shape_cast %get3A_15 : vector<1x1000x128xf32> to vector<1000x128xf32>
    %get3A_17 = arith.constant 1 : index
    %get3A_18 = arith.constant 0 : index
    %get3A_19 = arith.constant 0 : index
    %get3A_20 = vector.load %arg2[%get3A_17, %get3A_18, %get3A_19] : memref<2x1000x128xf32, #tpu.memory_space<vmem>>, vector<1x1000x128xf32>
    %get3A_21 = vector.shape_cast %get3A_20 : vector<1x1000x128xf32> to vector<1000x128xf32>
    %add3A_22 = arith.addf %get3A_16, %get3A_21 : vector<1000x128xf32>
    %mul3A = vector.broadcast %rsqrt3A : vector<1000x1xf32> to vector<1000x128xf32>
    %mul3A_23 = arith.mulf %add3A_22, %mul3A : vector<1000x128xf32>
    %get3A_24 = arith.constant 0 : index
    %get3A_25 = arith.constant 0 : index
    %get3A_26 = vector.load %arg1[%get3A_24, %get3A_25] : memref<1000x128xf32, #tpu.memory_space<vmem>>, vector<1000x128xf32>
    %get3A_27 = arith.constant 0 : index
    %get3A_28 = arith.constant 0 : index
    %get3A_29 = vector.load %arg4[%get3A_27, %get3A_28] : memref<128x128xf32, #tpu.memory_space<vmem>>, vector<128x128xf32>
    %dot_general3A = arith.constant dense<0.000000e+00> : vector<1000x128xf32>
    %dot_general3A_30 = tpu.matmul %get3A_26, %get3A_29, %dot_general3A {dimension_numbers = #tpu.dot_dimension_numbers<[1], [0], [0], [1], [0, 0, 1, 1], [], []>, transpose_lhs_hint = false} : vector<1000x128xf32>, vector<128x128xf32>, vector<1000x128xf32> -> vector<1000x128xf32>
    %get3A_31 = arith.constant 0 : index
    %get3A_32 = arith.constant 0 : index
    %get3A_33 = vector.load %arg5[%get3A_31, %get3A_32] : memref<128x128xf32, #tpu.memory_space<vmem>>, vector<128x128xf32>
    %dot_general3A_34 = arith.constant dense<0.000000e+00> : vector<1000x128xf32>
    %dot_general3A_35 = tpu.matmul %mul3A_23, %get3A_33, %dot_general3A_34 {dimension_numbers = #tpu.dot_dimension_numbers<[1], [0], [0], [1], [0, 0, 1, 1], [], []>, transpose_lhs_hint = false} : vector<1000x128xf32>, vector<128x128xf32>, vector<1000x128xf32> -> vector<1000x128xf32>
    %add3A_36 = arith.addf %dot_general3A_30, %dot_general3A_35 : vector<1000x128xf32>
    %get3A_37 = arith.constant 0 : index
    %get3A_38 = arith.constant 0 : index
    %get3A_39 = vector.load %arg6[%get3A_37, %get3A_38] : memref<1x128xf32, #tpu.memory_space<vmem>>, vector<1x128xf32>
    %add3A_40 = vector.broadcast %get3A_39 : vector<1x128xf32> to vector<1000x128xf32>
    %add3A_41 = arith.addf %add3A_36, %add3A_40 : vector<1000x128xf32>
    %max3A = arith.constant 0.000000e+00 : f32
    %max3A_42 = vector.broadcast %max3A : f32 to vector<1000x128xf32>
    %max3A_43 = arith.maximumf %add3A_41, %max3A_42 : vector<1000x128xf32>
    %swap3A = arith.constant 0 : index
    %swap3A_44 = arith.constant 0 : index
    %swap3A_45 = vector.load %arg7[%swap3A, %swap3A_44] : memref<1000x128xf32, #tpu.memory_space<vmem>>, vector<1000x128xf32>
    tpu.vector_store %arg7[%swap3A, %swap3A_44], %max3A_43 {strides = array<i32>} : memref<1000x128xf32, #tpu.memory_space<vmem>>, vector<1000x128xf32>,
    %mul3A_46 = vector.broadcast %rsqrt3A : vector<1000x1xf32> to vector<1000x128xf32>
    %mul3A_47 = arith.mulf %max3A_43, %mul3A_46 : vector<1000x128xf32>
    %swap3A_48 = arith.constant 0 : index
    %swap3A_49 = arith.constant 0 : index
    %swap3A_50 = vector.load %arg8[%swap3A_48, %swap3A_49] : memref<1000x128xf32, #tpu.memory_space<vmem>>, vector<1000x128xf32>
    tpu.vector_store %arg8[%swap3A_48, %swap3A_49], %mul3A_47 {strides = array<i32>} : memref<1000x128xf32, #tpu.memory_space<vmem>>, vector<1000x128xf32>,
    return
  }
  func.func @transform_0(%arg0: i32) -> (i32, i32) {
    %c0_i32 = arith.constant 0 : i32
    %c0_i32_0 = arith.constant 0 : i32
    return %arg0, %c0_i32 : i32, i32
  }
  func.func @transform_1(%arg0: i32) -> (i32, i32, i32) {
    %c0_i32 = arith.constant 0 : i32
    %c0_i32_0 = arith.constant 0 : i32
    %c0_i32_1 = arith.constant 0 : i32
    return %c0_i32, %arg0, %c0_i32_0 : i32, i32, i32
  }
  func.func @transform_2(%arg0: i32) -> (i32, i32, i32) {
    %c0_i32 = arith.constant 0 : i32
    %c0_i32_0 = arith.constant 0 : i32
    %c0_i32_1 = arith.constant 0 : i32
    return %c0_i32, %arg0, %c0_i32_0 : i32, i32, i32
  }
  func.func @transform_3(%arg0: i32) -> (i32, i32) {
    %c0_i32 = arith.constant 0 : i32
    %c0_i32_0 = arith.constant 0 : i32
    %c0_i32_1 = arith.constant 0 : i32
    return %c0_i32, %c0_i32_0 : i32, i32
  }
  func.func @transform_4(%arg0: i32) -> (i32, i32) {
    %c0_i32 = arith.constant 0 : i32
    %c0_i32_0 = arith.constant 0 : i32
    %c0_i32_1 = arith.constant 0 : i32
    return %c0_i32, %c0_i32_0 : i32, i32
  }
  func.func @transform_5(%arg0: i32) -> (i32, i32) {
    %c0_i32 = arith.constant 0 : i32
    %c0_i32_0 = arith.constant 0 : i32
    %c0_i32_1 = arith.constant 0 : i32
    return %c0_i32, %c0_i32_0 : i32, i32
  }
  func.func @transform_6(%arg0: i32) -> (i32, i32) {
    %c0_i32 = arith.constant 0 : i32
    %c0_i32_0 = arith.constant 0 : i32
    return %arg0, %c0_i32 : i32, i32
  }
  func.func @transform_7(%arg0: i32) -> (i32, i32) {
    %c0_i32 = arith.constant 0 : i32
    %c0_i32_0 = arith.constant 0 : i32
    return %arg0, %c0_i32 : i32, i32
  }
}

module attributes {stable_mosaic.version = 14 : i64} {
  func.func @body(%arg0: i32, %arg1: memref<1000x128xf32, #tpu.memory_space<vmem>>, %arg2: memref<2x1000x128xf32, #tpu.memory_space<vmem>>, %arg3: memref<2x1000x128xf32, #tpu.memory_space<vmem>>, %arg4: memref<128x128xf32, #tpu.memory_space<vmem>>, %arg5: memref<128x128xf32, #tpu.memory_space<vmem>>, %arg6: memref<1x128xf32, #tpu.memory_space<vmem>>, %arg7: memref<128x128xf32, #tpu.memory_space<vmem>>, %arg8: memref<1x128xf32, #tpu.memory_space<vmem>>, %arg9: memref<1000x128xf32, #tpu.memory_space<vmem>>) attributes {dimension_semantics = [#tpu.dimension_semantics<arbitrary>], iteration_bounds = array<i64: 10>, scalar_prefetch = 0 : i64, scratch_operands = 0 : i64, tpu.core_type = #tpu.core_type<tc>, window_params = [{transform_indices = @transform_0, window_bounds = array<i64: 1000, 128>}, {transform_indices = @transform_1, window_bounds = array<i64: 2, 1000, 128>}, {transform_indices = @transform_2, window_bounds = array<i64: 2, 1000, 128>}, {pipeline_mode = #tpu.pipeline_mode<synchronous>, transform_indices = @transform_3, window_bounds = array<i64: 128, 128>}, {pipeline_mode = #tpu.pipeline_mode<synchronous>, transform_indices = @transform_4, window_bounds = array<i64: 128, 128>}, {pipeline_mode = #tpu.pipeline_mode<synchronous>, transform_indices = @transform_5, window_bounds = array<i64: 1, 128>}, {pipeline_mode = #tpu.pipeline_mode<synchronous>, transform_indices = @transform_6, window_bounds = array<i64: 128, 128>}, {pipeline_mode = #tpu.pipeline_mode<synchronous>, transform_indices = @transform_7, window_bounds = array<i64: 1, 128>}, {transform_indices = @transform_8, window_bounds = array<i64: 1000, 128>}]} {
    %get3A = arith.constant 0 : index
    %get3A_0 = arith.constant 0 : index
    %get3A_1 = arith.constant 0 : index
    %get3A_2 = vector.load %arg3[%get3A, %get3A_0, %get3A_1] : memref<2x1000x128xf32, #tpu.memory_space<vmem>>, vector<1x1000x1xf32>
    %get3A_3 = vector.shape_cast %get3A_2 : vector<1x1000x1xf32> to vector<1000x1xf32>
    %get3A_4 = arith.constant 1 : index
    %get3A_5 = arith.constant 0 : index
    %get3A_6 = arith.constant 0 : index
    %get3A_7 = vector.load %arg3[%get3A_4, %get3A_5, %get3A_6] : memref<2x1000x128xf32, #tpu.memory_space<vmem>>, vector<1x1000x1xf32>
    %get3A_8 = vector.shape_cast %get3A_7 : vector<1x1000x1xf32> to vector<1000x1xf32>
    %add3A = arith.addf %get3A_3, %get3A_8 : vector<1000x1xf32>
    %add3A_9 = arith.constant 1.000000e+00 : f32
    %add3A_10 = vector.broadcast %add3A_9 : f32 to vector<1000x1xf32>
    %add3A_11 = arith.addf %add3A, %add3A_10 : vector<1000x1xf32>
    %rsqrt3A = math.rsqrt %add3A_11 : vector<1000x1xf32>
    %get3A_12 = arith.constant 0 : index
    %get3A_13 = arith.constant 0 : index
    %get3A_14 = arith.constant 0 : index
    %get3A_15 = vector.load %arg2[%get3A_12, %get3A_13, %get3A_14] : memref<2x1000x128xf32, #tpu.memory_space<vmem>>, vector<1x1000x128xf32>
    %get3A_16 = vector.shape_cast %get3A_15 : vector<1x1000x128xf32> to vector<1000x128xf32>
    %get3A_17 = arith.constant 1 : index
    %get3A_18 = arith.constant 0 : index
    %get3A_19 = arith.constant 0 : index
    %get3A_20 = vector.load %arg2[%get3A_17, %get3A_18, %get3A_19] : memref<2x1000x128xf32, #tpu.memory_space<vmem>>, vector<1x1000x128xf32>
    %get3A_21 = vector.shape_cast %get3A_20 : vector<1x1000x128xf32> to vector<1000x128xf32>
    %add3A_22 = arith.addf %get3A_16, %get3A_21 : vector<1000x128xf32>
    %mul3A = vector.broadcast %rsqrt3A : vector<1000x1xf32> to vector<1000x128xf32>
    %mul3A_23 = arith.mulf %add3A_22, %mul3A : vector<1000x128xf32>
    %get3A_24 = arith.constant 0 : index
    %get3A_25 = arith.constant 0 : index
    %get3A_26 = vector.load %arg1[%get3A_24, %get3A_25] : memref<1000x128xf32, #tpu.memory_space<vmem>>, vector<1000x128xf32>
    %get3A_27 = arith.constant 0 : index
    %get3A_28 = arith.constant 0 : index
    %get3A_29 = vector.load %arg4[%get3A_27, %get3A_28] : memref<128x128xf32, #tpu.memory_space<vmem>>, vector<128x128xf32>
    %dot_general3A = arith.constant dense<0.000000e+00> : vector<1000x128xf32>
    %dot_general3A_30 = tpu.matmul %get3A_26, %get3A_29, %dot_general3A {dimension_numbers = #tpu.dot_dimension_numbers<[1], [0], [0], [1], [0, 0, 1, 1], [], []>, transpose_lhs_hint = false} : vector<1000x128xf32>, vector<128x128xf32>, vector<1000x128xf32> -> vector<1000x128xf32>
    %get3A_31 = arith.constant 0 : index
    %get3A_32 = arith.constant 0 : index
    %get3A_33 = vector.load %arg5[%get3A_31, %get3A_32] : memref<128x128xf32, #tpu.memory_space<vmem>>, vector<128x128xf32>
    %dot_general3A_34 = arith.constant dense<0.000000e+00> : vector<1000x128xf32>
    %dot_general3A_35 = tpu.matmul %mul3A_23, %get3A_33, %dot_general3A_34 {dimension_numbers = #tpu.dot_dimension_numbers<[1], [0], [0], [1], [0, 0, 1, 1], [], []>, transpose_lhs_hint = false} : vector<1000x128xf32>, vector<128x128xf32>, vector<1000x128xf32> -> vector<1000x128xf32>
    %add3A_36 = arith.addf %dot_general3A_30, %dot_general3A_35 : vector<1000x128xf32>
    %get3A_37 = arith.constant 0 : index
    %get3A_38 = arith.constant 0 : index
    %get3A_39 = vector.load %arg6[%get3A_37, %get3A_38] : memref<1x128xf32, #tpu.memory_space<vmem>>, vector<1x128xf32>
    %add3A_40 = vector.broadcast %get3A_39 : vector<1x128xf32> to vector<1000x128xf32>
    %add3A_41 = arith.addf %add3A_36, %add3A_40 : vector<1000x128xf32>
    %max3A = arith.constant 0.000000e+00 : f32
    %max3A_42 = vector.broadcast %max3A : f32 to vector<1000x128xf32>
    %max3A_43 = arith.maximumf %add3A_41, %max3A_42 : vector<1000x128xf32>
    %get3A_44 = arith.constant 0 : index
    %get3A_45 = arith.constant 0 : index
    %get3A_46 = vector.load %arg7[%get3A_44, %get3A_45] : memref<128x128xf32, #tpu.memory_space<vmem>>, vector<128x128xf32>
    %dot_general3A_47 = arith.constant dense<0.000000e+00> : vector<1000x128xf32>
    %dot_general3A_48 = tpu.matmul %max3A_43, %get3A_46, %dot_general3A_47 {dimension_numbers = #tpu.dot_dimension_numbers<[1], [0], [0], [1], [0, 0, 1, 1], [], []>, transpose_lhs_hint = false} : vector<1000x128xf32>, vector<128x128xf32>, vector<1000x128xf32> -> vector<1000x128xf32>
    %get3A_49 = arith.constant 0 : index
    %get3A_50 = arith.constant 0 : index
    %get3A_51 = vector.load %arg8[%get3A_49, %get3A_50] : memref<1x128xf32, #tpu.memory_space<vmem>>, vector<1x128xf32>
    %add3A_52 = vector.broadcast %get3A_51 : vector<1x128xf32> to vector<1000x128xf32>
    %add3A_53 = arith.addf %dot_general3A_48, %add3A_52 : vector<1000x128xf32>
    %swap3A = arith.constant 0 : index
    %swap3A_54 = arith.constant 0 : index
    %swap3A_55 = vector.load %arg9[%swap3A, %swap3A_54] : memref<1000x128xf32, #tpu.memory_space<vmem>>, vector<1000x128xf32>
    tpu.vector_store %arg9[%swap3A, %swap3A_54], %add3A_53 {strides = array<i32>} : memref<1000x128xf32, #tpu.memory_space<vmem>>, vector<1000x128xf32>,
    return
  }
  func.func @transform_0(%arg0: i32) -> (i32, i32) {
    %c0_i32 = arith.constant 0 : i32
    %c0_i32_0 = arith.constant 0 : i32
    return %arg0, %c0_i32 : i32, i32
  }
  func.func @transform_1(%arg0: i32) -> (i32, i32, i32) {
    %c0_i32 = arith.constant 0 : i32
    %c0_i32_0 = arith.constant 0 : i32
    %c0_i32_1 = arith.constant 0 : i32
    return %c0_i32, %arg0, %c0_i32_0 : i32, i32, i32
  }
  func.func @transform_2(%arg0: i32) -> (i32, i32, i32) {
    %c0_i32 = arith.constant 0 : i32
    %c0_i32_0 = arith.constant 0 : i32
    %c0_i32_1 = arith.constant 0 : i32
    return %c0_i32, %arg0, %c0_i32_0 : i32, i32, i32
  }
  func.func @transform_3(%arg0: i32) -> (i32, i32) {
    %c0_i32 = arith.constant 0 : i32
    %c0_i32_0 = arith.constant 0 : i32
    %c0_i32_1 = arith.constant 0 : i32
    return %c0_i32, %c0_i32_0 : i32, i32
  }
  func.func @transform_4(%arg0: i32) -> (i32, i32) {
    %c0_i32 = arith.constant 0 : i32
    %c0_i32_0 = arith.constant 0 : i32
    %c0_i32_1 = arith.constant 0 : i32
    return %c0_i32, %c0_i32_0 : i32, i32
  }
  func.func @transform_5(%arg0: i32) -> (i32, i32) {
    %c0_i32 = arith.constant 0 : i32
    %c0_i32_0 = arith.constant 0 : i32
    %c0_i32_1 = arith.constant 0 : i32
    return %c0_i32, %c0_i32_0 : i32, i32
  }
  func.func @transform_6(%arg0: i32) -> (i32, i32) {
    %c0_i32 = arith.constant 0 : i32
    %c0_i32_0 = arith.constant 0 : i32
    %c0_i32_1 = arith.constant 0 : i32
    return %c0_i32, %c0_i32_0 : i32, i32
  }
  func.func @transform_7(%arg0: i32) -> (i32, i32) {
    %c0_i32 = arith.constant 0 : i32
    %c0_i32_0 = arith.constant 0 : i32
    %c0_i32_1 = arith.constant 0 : i32
    return %c0_i32, %c0_i32_0 : i32, i32
  }
  func.func @transform_8(%arg0: i32) -> (i32, i32) {
    %c0_i32 = arith.constant 0 : i32
    %c0_i32_0 = arith.constant 0 : i32
    return %arg0, %c0_i32 : i32, i32
  }
}

</mosaic_0001>

<sc_bundles>
// kernel: kernel.11.cloned.1.call-start
scs
__scs_entry_jumppad:
0x0: {  	(pc) =	sbr.rel $0x88, $3  }
0x1: {  	(tag) =	ssettag $0x0;
	lr =	simm.s32 $0x1  }
0x2: {  	[smem:$0x3F99] =	sst lr;
	_ =	strace $0xD0000000  }
0x3: {  	_ = 	snop  }
0x4: {  	_ = 	snop  }
0x5: {  	_ = 	snop  }
0x6: {  	_ = 	snop  }
0x7: {  	_ = 	snop  }
__scs_overlays_trampoline_lowered:
0x8: {  	[smem:$0x3FA8] =	sst s0  }
0x9: {  	[smem:$0x3FA9] =	sst s1  }
0xa: {  	[smem:$0x3FAA] =	sst s2  }
0xb: {  	[smem:$0x3FAB] =	sst s3  }
0xc: {  	[smem:$0x3FAC] =	sst s4  }
0xd: {  	[smem:$0x3FAD] =	sst s5  }
0xe: {  	[smem:$0x3FAE] =	sst s6  }
0xf: {  	[smem:$0x3FAF] =	sst s7  }
0x10: {  	[smem:$0x3FB0] =	sst s8  }
0x11: {  	[smem:$0x3FB1] =	sst s9;
	s0 =	simm.s32 @!p0 $0x0  }
0x12: {  	s1 =	sld [smem:$0x3F97];
	s0 =	simm.s32 @p0 $0x1  }
0x13: {  	[smem:$0x3FB2] =	sst s0;
	s0 =	simm.s32 @!p1 $0x0  }
0x14: {  	s2 =	sld [smem:$0x3F96];
	s0 =	simm.s32 @p1 $0x1  }
0x15: {  	[smem:$0x3FB3] =	sst s0;
	s0 =	simm.s32 @!p2 $0x0  }
0x16: {  	s3 =	sld [smem:$0x3FDB];
	s0 =	simm.s32 @p2 $0x1  }
0x17: {  	s4 =	simm.s32 $0x1BF5;
	[smem:$0x3FB5] =	sst s0  }
0x18: {  	s0 =	sld [smem:$0x3F98];
	_ =	swait.ge [sflag:s4], $0x0  }
0x19: {  	s7 =	sld [smem:$0x3F99]  }
0x1a: {  	s8 =	sadd.s32 $0xFFFFE003, lr  }
0x1b: {  	s9 =	sadd.s32 $0xFFFFFEF7, lr;
	s5 =	simm.s32 $0xFFFFFFFF;
	p2 =	slt.u32 s8, $0xFFFFF086  }
0x1c: {  	p1 =	slt.u32 s9, $0xF7A;
	s5 =	simm.s32 @!p2 $0x0  }
0x1d: {  	s5 =	simm.s32 @p1 $0x1;
	p0 =	seq.s32 s7, s2  }
0x1e: {  	s7 =	smul.u32 @!p0 $0xF7A, s2;
	p2 =	seq.s32 @!p0 s5, $0x0  }
0x1f: {  	s9 =	smul.u32 $0xF7A, s1;
	s8 =	simm.s32 @!p0 $0x1BF5;
	p2 =	por !p2, p0  }
0x20: {  	[sflag:s8] =	ssyncset.s32 @!p0 $0xFFFFF086;
	s6 =	sadd.s32 @!p0 s3, s7;
	s7 =	simm.s32 @!p0 $0x108  }
0x21: {  	s3 =	sadd.s32 s3, s9;
	s6 =	sadd.s32 @!p0 $0x88, s6;
	s7 =	simm.s32 @p2 $0x1082  }
0x22: {  	[simem:s7], [sflag:s8] =	dma.local @!p0 [hbm:s6], $0xF7A  }
0x23: {  	s9 =	sor.u32 $0xD0000000, s2;
	s6 =	simm.s32 $0x108;
	_ =	swait.ge @!p0 [sflag:s8], $0x0  }
0x24: {  	s3 =	sadd.s32 $0x88, s3;
	s6 =	simm.s32 @!p1 $0x1082;
	[sflag:s4] =	ssyncset.s32 $0xFFFFF086  }
0x25: {  	[simem:s6], [sflag:s4] =	dma.local [hbm:s3], $0xF7A  }
0x26: {  	[smem:$0x3F99] =	sst s1;
	(tag) =	ssettag s2;
	_ =	strace s9  }
0x27: {  	s1 =	sld [smem:$0x3FA9]  }
0x28: {  	s2 =	sld [smem:$0x3FAA]  }
0x29: {  	s4 =	sld [smem:$0x3FAC]  }
0x2a: {  	p0 =	seq.s32 s5, $0x0;
	s5 =	sld [smem:$0x3FAD]  }
0x2b: {  	s6 =	sld [smem:$0x3FAE]  }
0x2c: {  	s7 =	sld [smem:$0x3FAF]  }
0x2d: {  	s3 =	simm.s32 $0x108;
	s8 =	sld [smem:$0x3FB0]  }
0x2e: {  	s3 =	simm.s32 @!p0 $0x1082;
	s9 =	sld [smem:$0x3FB1]  }
0x2f: {  	lr =	sadd.s32 s0, s3;
	s0 =	sld [smem:$0x3FA8]  }
0x30: {  	s3 =	sld [smem:$0x3FAB]  }
0x31: {  	[smem:$0x3FB4] =	sst s10  }
0x32: {  	s10 =	sld [smem:$0x3FB2];
	_ =	sdelay $0x3  }
0x33: {  	p0 =	seq.s32 s10, $0x1;
	s10 =	sld [smem:$0x3FB4];
	_ =	sdelay $0x3  }
0x34: {  	[smem:$0x3FB4] =	sst s10  }
0x35: {  	s10 =	sld [smem:$0x3FB3];
	_ =	sdelay $0x3  }
0x36: {  	p1 =	seq.s32 s10, $0x1;
	s10 =	sld [smem:$0x3FB4];
	_ =	sdelay $0x3  }
0x37: {  	[smem:$0x3FB4] =	sst s10  }
0x38: {  	s10 =	sld [smem:$0x3FB5]  }
0x39: {  	_ = 	snop;
	(pc) =	sbr.ind lr, $3  }
0x3a: {  	_ = 	snop  }
0x3b: {  	_ = 	snop  }
0x3c: {  	p2 =	seq.s32 s10, $0x1;
	s10 =	sld [smem:$0x3FB4]  }
0x3d: {  	_ =	shalt  }
0x3e: {  	_ =	shalt  }
0x3f: {  	_ =	shalt  }
0x40: {  	_ =	shalt  }
0x41: {  	_ =	shalt  }
0x42: {  	_ =	shalt  }
0x43: {  	_ =	shalt  }
0x44: {  	_ =	shalt  }
0x45: {  	_ =	shalt  }
0x46: {  	_ =	shalt  }
0x47: {  	_ =	shalt  }
0x48: {  	_ =	shalt  }
0x49: {  	_ =	shalt  }
0x4a: {  	_ =	shalt  }
0x4b: {  	_ =	shalt  }
0x4c: {  	_ =	shalt  }
0x4d: {  	_ =	shalt  }
0x4e: {  	_ =	shalt  }
0x4f: {  	_ =	shalt  }
0x50: {  	_ =	shalt  }
0x51: {  	_ =	shalt  }
0x52: {  	_ =	shalt  }
0x53: {  	_ =	shalt  }
0x54: {  	_ =	shalt  }
0x55: {  	_ =	shalt  }
0x56: {  	_ =	shalt  }
0x57: {  	_ =	shalt  }
0x58: {  	_ =	shalt  }
0x59: {  	_ =	shalt  }
0x5a: {  	_ =	shalt  }
0x5b: {  	_ =	shalt  }
0x5c: {  	_ =	shalt  }
0x5d: {  	_ =	shalt  }
0x5e: {  	_ =	shalt  }
0x5f: {  	_ =	shalt  }
0x60: {  	_ =	shalt  }
0x61: {  	_ =	shalt  }
0x62: {  	_ =	shalt  }
0x63: {  	_ =	shalt  }
0x64: {  	_ =	shalt  }
0x65: {  	_ =	shalt  }
0x66: {  	_ =	shalt  }
0x67: {  	_ =	shalt  }
0x68: {  	_ =	shalt  }
0x69: {  	_ =	shalt  }
0x6a: {  	_ =	shalt  }
0x6b: {  	_ =	shalt  }
0x6c: {  	_ =	shalt  }
0x6d: {  	_ =	shalt  }
0x6e: {  	_ =	shalt  }
0x6f: {  	_ =	shalt  }
0x70: {  	_ =	shalt  }
0x71: {  	_ =	shalt  }
0x72: {  	_ =	shalt  }
0x73: {  	_ =	shalt  }
0x74: {  	_ =	shalt  }
0x75: {  	_ =	shalt  }
0x76: {  	_ =	shalt  }
0x77: {  	_ =	shalt  }
0x78: {  	_ =	shalt  }
0x79: {  	_ =	shalt  }
0x7a: {  	_ =	shalt  }
0x7b: {  	_ =	shalt  }
0x7c: {  	_ =	shalt  }
0x7d: {  	_ =	shalt  }
0x7e: {  	_ =	shalt  }
0x7f: {  	_ =	shalt  }
0x80: {  	_ =	shalt  }
0x81: {  	_ =	shalt  }
0x82: {  	_ =	shalt  }
0x83: {  	_ =	shalt  }
0x84: {  	_ =	shalt  }
0x85: {  	_ =	shalt  }
0x86: {  	_ =	shalt  }
0x87: {  	_ =	shalt  }
.Lfunc_end0:
.L_simem_size_0:
called_computation.1_lowered:
.L_overlay_start_0:
0x88: {  	s2 =	sld [smem:$0x3FD9]  }
0x89: {  	s3 =	sld [smem:$0x3FFE];
	_ =	sdelay $0x1  }
0x8a: {  	s1 =	srdreg.scid  }
0x8b: {  	s0 =	sand.u32 $0x1, s1  }
0x8c: {  	s17 =	sshll.u32 s0, $0xA;
	s2 =	sadd.s32 s3, s2  }
0x8d: {  	s2 =	sadd.s32 s2, s17  }
0x8e: {  	[smem:$0x3FC0] =	sst s2  }
0x8f: {  	_ = 	snop  }
0x90: {  	s2 =	sld [smem:$0x3FD0];
	(tm) =	ssettm $0x1  }
0x91: {  	s18 =	sld [smem:$0x3FFB];
	_ =	sdelay $0x3  }
0x92: {  	_ =	strace s18  }
0x93: {  	s3 =	sld [smem:$0x3FFC];
	_ =	sdelay $0x3  }
0x94: {  	_ =	strace s3  }
0x95: {  	s3 =	sld [smem:$0x3FFD];
	_ =	sdelay $0x3  }
0x96: {  	_ =	strace s3  }
0x97: {  	_ =	strace $0x8FFFFFFF  }
0x98: {  	s19 =	sld [smem:$0x3FDB];
	_ =	sdelay $0x1  }
0x99: {  	s4 =	simm.s32 $_scs_section_size  }
0x9a: {  	s5 =	simm.s32 $_size__tile_overlayer_lowered;
	s6 =	simm.s32 $_tile_overlayer_lowered  }
0x9b: {  	s22 =	simm.s32 $0x1BFF;
	s21 =	sshll.u32 s6, $0x1;
	s3 =	sadd.s32 s4, s19  }
0x9c: {  	s7 =	simm.s32 $0x0;
	s20 =	sshll.u32 s5, $0x1;
	s5 =	sadd.s32 s21, s3  }
0x9d: {  	[timem:s7], [sflag:s22] =	dma.local [hbm:s5], s20  }
0x9e: {  	_ =	swait.ge [sflag:s22], s20  }
0x9f: {  	s4 =	ssub.s32 $0x0, s20;
	[sflag:s22] =	ssyncset.done $0x0  }
0xa0: {  	[sflag:s22] =	ssyncadd.s32 s4;
	_ =	sdelay $0x1  }
0xa1: {  	s23 =	simm.s32 $0x1B8B  }
0xa2: {  	_ =	swait.ge [sflag:s23], $0x1  }
0xa3: {  	[sflag:s23] =	ssyncset.done $0x0  }
0xa4: {  	s25 =	simm.s32 $0x1B8E;
	s24 =	sld [smem:$0x3FFE];
	[sflag:s23] =	ssyncadd.s32 $0xFFFFFFFF  }
0xa5: {  	s26 =	simm.s32 $execute0_lowered;
	[smem:$0x3FD2] =	sst s25  }
0xa6: {  	s5 =	sshll.u32 s26, $0x1;
	_ =	strace $0x80000049;
	[dreg:$0x1] =	wrdreg $0xFFFFFFFF  }
0xa7: {  	s28 =	simm.s32 $_size_execute0_lowered;
	s3 =	sadd.s32 s3, s5;
	[dreg:$0x0] =	wrdreg $0x0  }
0xa8: {  	s5 =	sshll.u32 s28, $0x1;
	[dreg:$0x2] =	wrdreg s3  }
0xa9: {  	[dreg:$0x3] =	wrdreg s5  }
0xaa: {  	[dreg:$0x4] =	wrdreg $0xC0  }
0xab: {  	_ =	task [dreg:s7], $0x5FFFF  }
0xac: {  	[dreg:$0x1] =	wrdreg $0xFFFFFFFF  }
0xad: {  	[dreg:$0x0] =	wrdreg $0x60  }
0xae: {  	[dreg:$0x2] =	wrdreg s2  }
0xaf: {  	[dreg:$0x3] =	wrdreg s24  }
0xb0: {  	[dreg:$0x4] =	wrdreg $0x88000  }
0xb1: {  	[dreg:$0x5] =	wrdreg $0x9  }
0xb2: {  	_ =	task.clear_ibuf [dreg:s7], $0x6FFFF;
	_ =	strace $0x90000049  }
0xb3: {  	s29 =	simm.s32 $0x9;
	_ =	strace $0x8000004B  }
0xb4: {  	_ =	swait.ge [sflag:s29], $0x1  }
0xb5: {  	[sflag:s29] =	ssyncadd.s32 $0xFFFFFFFF  }
0xb6: {  	_ =	strace $0x9000004B  }
0xb7: {  	_ =	sfence  }
0xb8: {  	s30 =	sld [smem:$0x0];
	_ =	sdelay $0x2  }
0xb9: {  	s31 =	sshll.u32 s1, $0xD;
	s1 =	sshrl.u32 s1, $0x2  }
0xba: {  	s3 =	sand.u32 $0x4000, s31;
	s1 =	sadd.s32 s1, s30  }
0xbb: {  	s0 =	sor.u32 s3, s0;
	s1 =	sshll.u32 s1, $0x11  }
0xbc: {  	s0 =	sor.u32 s1, s0  }
0xbd: {  	s0 =	sadd.s32 $0x8F2B, s0  }
0xbe: {  	[sflag:s0] =	ssyncadd.remote.s32 $0x1  }
0xbf: {  	_ =	sfence.sel $0xFFFF  }
0xc0: {  	[dreg:$0x0] =	wrdreg $0xFFFFFFFF;
	(pc) =	sbr.abs _section_cstart, $3  }
0xc1: {  	[dreg:$0x1] =	wrdreg $0xFFFFFFFF  }
0xc2: {  	_ =	task.clear_ibuf [dreg:s7], $0x2FFFF;
	_ =	strace $0x9FFFFFFF  }
0xc3: {  	(tm) =	ssettm $0x7FFFFFFF  }
tec
execute0_lowered:
.L_overlay_start_1:
0x0: {  	(tag) =	ssettag $0x1  }
0x1: {  	s1 =	rddreg [dreg:$0x0]  }
0x2: {  	s6 =	rddreg [dreg:$0x1]  }
0x3: {  	s3 =	rddreg [dreg:$0x2];
	s2 =	srdreg.scid  }
0x4: {  	s0 =	stileid.u32;
	s15 =	simm.s32 $0x4800;
	s16 =	simm.s32 $0x1  }
0x5: {  	s17 =	simm.s32 $0x0;
	s7 =	sand.u32 $0x1, s2;
	s5 =	smul.u32 $0x48, s0  }
0x6: {  	s4 =	sshll.u32 s0, $0x3;
	s2 =	rddreg [dreg:$0x3];
	s28 =	smul.u32 $0x14000, s0  }
0x7: {  	s11 =	smul.u32 $0x50000, s0;
	s31 =	sshll.u32 s0, $0x6;
	p0 =	seq.s32 s7, $0x0  }
0x8: {  	s8 =	sor.u32 $0x480, s4;
	s4 =	simm.s32 $0x0;
	s9 =	smul.u32 $0x140000, s7  }
0x9: {  	s7 =	ssub.s32 $0x2, s7;
	s8 =	smov.u32 @p0 s5;
	[smem:$0x7FF] =	sst s4  }
0xa: {  	s29 =	sshrl.u32 s7, $0x1;
	s30 =	sshrl.u32 s11, $0x2;
	s11 =	simm.s32 $0x2  }
0xb: {  	s5 =	sshll.u32 s8, $0x4;
	_ =	strace $0x8000004A;
	s8 =	sadd.s32 s28, s9  }
0xc: {  	s13 =	ssub.s32 s7, s29;
	s14 =	sadd.s32 s30, s3;
	s8 =	sshrl.u32 s8, $0x3  }
0xd: {  	s10 =	sadd.s32 s5, s6;
	s5 =	sadd.s32 $0xD000, s6;
	s12 =	sadd.s32 s8, s6  }
0xe: {  	s6 =	simm.s32 $0x48;
	s7 =	sadd.s32 $0x7C00, s10;
	s8 =	sadd.s32 $0x2800, s10  }
0xf: {  	s10 =	smax.u32 s13, $0x1;
	s13 =	sshrl.u32 s14, $0x3;
	s14 =	simm.s32 $0x80  }
0x10: {  	s6 =	simm.s32 @!p0 $0x8;
	s9 =	sadd.s32 $0x5F800, s12;
	s12 =	sor.u32 $0x1C02, s31  }
.LBB2_1:
0x11: {  	[tilespmem:s4], [sflag:$0x2] =	stream.linear.gather [hbm4b:s7+s4], $0x2400, $0x38;
	[tilespmem:$0x1C800] =	vst v63  }
0x12: {  	_ =	swait.ge [sflag:s11], $0x2400  }
0x13: {  	[sflag:s11] =	ssyncset.done $0x0  }
0x14: {  	s18 =	simm.s32 $0x2400;
	[sflag:s11] =	ssyncadd.s32 $0xFFFFDC00  }
0x15: {  	[tilespmem:s18], [sflag:$0x2] =	stream.linear.gather [hbm4b:s8+s4], $0x2400, $0x38;
	[tilespmem:$0x1C800] =	vst v63  }
0x16: {  	_ =	swait.ge [sflag:s11], $0x2400  }
0x17: {  	[sflag:s11] =	ssyncset.done $0x0  }
0x18: {  	[sflag:s11] =	ssyncadd.s32 $0xFFFFDC00  }
0x19: {  	[spmem:s13], [sflag:s12] =	dma.local [hbm:s5], $0x2800  }
0x1a: {  	_ =	swait.ge [sflag:s11], $0x2800  }
0x1b: {  	[sflag:s11] =	ssyncset.done $0x0  }
0x1c: {  	[sflag:s11] =	ssyncadd.s32 $0xFFFFD800  }
0x1d: {  	[bflag:$0x0] =	sbarrier.arrive $0xFFFF  }
0x1e: {  	[tilespmem:s15], [sflag:$0x1] =	stream.indirect.gather [hbm4b:s1+s14], $0x80, s4, s14, $0xb8;
	[tilespmem:$0x1C800] =	vst v63  }
0x1f: {  	p0 =	sne.s32 s6, $0x1;
	_ =	swait.ge [sflag:s16], $0x4000  }
.Ltmp0:
0x20: {  	[sflag:s16] =	ssyncset.done $0x0;
	(pc) =	sbr.rel @!p0 .LBB2_3-.Ltmp0, $4  }
0x21: {  	[sflag:s16] =	ssyncadd.s32 $0xFFFFC000  }
0x22: {  	[spmem:s3] =	stream.indirect.scatter.add.f32 [tilespmem:s15], [sflag:$0x2], $0x80, s18, s14, $0xb8;
	[tilespmem:$0x1C800] =	vst v63  }
0x23: {  	_ =	swait.ge [sflag:s11], $0x4000  }
0x24: {  	s19 =	sadd.s32 $0xFFFFFFFF, s6;
	s20 =	simm.s32 $0x0;
	[sflag:s11] =	ssyncset.done $0x0  }
.LBB2_2:
0x25: {  	[sflag:s11] =	ssyncadd.s32 $0xFFFFC000;
	s20 =	sadd.s32 $0x80, s20;
	s18 =	sadd.s32 $0x80, s18  }
0x26: {  	[tilespmem:s15], [sflag:$0x1] =	stream.indirect.gather [hbm4b:s1+s14], $0x80, s20, s14, $0xb8;
	[tilespmem:$0x1C800] =	vst v63  }
0x27: {  	p0 =	sne.s32 s19, $0x1;
	s19 =	sadd.s32 $0xFFFFFFFF, s19;
	_ =	swait.ge [sflag:s16], $0x4000  }
.Ltmp1:
0x28: {  	[sflag:s16] =	ssyncset.done $0x0;
	(pc) =	sbr.rel @p0 .LBB2_2-.Ltmp1, $4  }
0x29: {  	[sflag:s16] =	ssyncadd.s32 $0xFFFFC000  }
0x2a: {  	[spmem:s3] =	stream.indirect.scatter.add.f32 [tilespmem:s15], [sflag:$0x2], $0x80, s18, s14, $0xb8;
	[tilespmem:$0x1C800] =	vst v63  }
0x2b: {  	_ =	swait.ge [sflag:s11], $0x4000  }
0x2c: {  	[sflag:s11] =	ssyncset.done $0x0  }
.LBB2_3:
0x2d: {  	s17 =	sadd.s32 $0x1, s17  }
0x2e: {  	[sflag:s11] =	ssyncadd.s32 $0xFFFFC000;
	p0 =	sne.s32 s17, s10  }
.Ltmp2:
0x2f: {  	[bflag:$0x0] =	sbarrier.arrive $0xFFFF;
	(pc) =	sbr.rel @p0 .LBB2_1-.Ltmp2, $4  }
0x30: {  	[hbm:s9], [sflag:s12] =	dma.local [spmem:s13], $0x2800  }
0x31: {  	_ =	swait.ge [sflag:s11], $0x2800  }
0x32: {  	[sflag:s11] =	ssyncset.done $0x0  }
0x33: {  	[sflag:s11] =	ssyncadd.s32 $0xFFFFD800  }
0x34: {  	_ =	sfence.sel $0x180000  }
0x35: {  	[bflag:$0x0] =	sbarrier.arrive $0xFFFF  }
0x36: {  	p0 =	sne.s32 s0, $0x0;
	_ =	strace $0x9000004A  }
0x37: {  	s0 =	sadd.s32 @!p0 $0x100000, s2;
	[bflag:$0x2] =	sbarrier.arrive $0xFFFF  }
0x38: {  	[sflag:s0] =	ssyncadd.tile.s32 @!p0 $0x1;
	_ =	shalt  }
.Lfunc_end2:
_tile_overlayer_lowered:
.L_overlay_start_2:
0x39: {  	(tag) =	ssettag $0x2  }
0x3a: {  	s0 =	rddreg [dreg:$0x0];
	s2 =	stileid.u32  }
0x3b: {  	s1 =	rddreg [dreg:$0x1];
	p0 =	sne.s32 s2, $0x0  }
0x3c: {  	s3 =	rddreg [dreg:$0x2];
	[bflag:$0x3] =	sbarrier.arrive $0xFFFF;
	s2 =	simm.s32 @!p0 $0x1C02  }
0x3d: {  	[timem:s3], [sflag:s2] =	dma.local @!p0 [hbm:s0], s1  }
0x3e: {  	s0 =	simm.s32 @!p0 $0x2  }
0x3f: {  	_ =	swait.ge @!p0 [sflag:s0], s1  }
0x40: {  	s1 =	ssub.s32 @!p0 $0x0, s1;
	[sflag:s0] =	ssyncset.done @!p0 $0x0  }
0x41: {  	[sflag:s0] =	ssyncadd.s32 @!p0 s1  }
0x42: {  	[bflag:$0x3] =	sbarrier.arrive $0xFFFF  }
0x43: {  	_ =	shalt  }

// kernel: kernel.14.cloned.1.call-start
scs
__scs_entry_jumppad:
0x0: {  	(pc) =	sbr.rel $0x88, $3  }
0x1: {  	(tag) =	ssettag $0x0;
	lr =	simm.s32 $0x1  }
0x2: {  	[smem:$0x3F99] =	sst lr;
	_ =	strace $0xD0000000  }
0x3: {  	_ = 	snop  }
0x4: {  	_ = 	snop  }
0x5: {  	_ = 	snop  }
0x6: {  	_ = 	snop  }
0x7: {  	_ = 	snop  }
__scs_overlays_trampoline_lowered:
0x8: {  	[smem:$0x3FA8] =	sst s0  }
0x9: {  	[smem:$0x3FA9] =	sst s1  }
0xa: {  	[smem:$0x3FAA] =	sst s2  }
0xb: {  	[smem:$0x3FAB] =	sst s3  }
0xc: {  	[smem:$0x3FAC] =	sst s4  }
0xd: {  	[smem:$0x3FAD] =	sst s5  }
0xe: {  	[smem:$0x3FAE] =	sst s6  }
0xf: {  	[smem:$0x3FAF] =	sst s7  }
0x10: {  	[smem:$0x3FB0] =	sst s8  }
0x11: {  	[smem:$0x3FB1] =	sst s9;
	s0 =	simm.s32 @!p0 $0x0  }
0x12: {  	s1 =	sld [smem:$0x3F97];
	s0 =	simm.s32 @p0 $0x1  }
0x13: {  	[smem:$0x3FB2] =	sst s0;
	s0 =	simm.s32 @!p1 $0x0  }
0x14: {  	s2 =	sld [smem:$0x3F96];
	s0 =	simm.s32 @p1 $0x1  }
0x15: {  	[smem:$0x3FB3] =	sst s0;
	s0 =	simm.s32 @!p2 $0x0  }
0x16: {  	s3 =	sld [smem:$0x3FDB];
	s0 =	simm.s32 @p2 $0x1  }
0x17: {  	s4 =	simm.s32 $0x1BF5;
	[smem:$0x3FB5] =	sst s0  }
0x18: {  	s0 =	sld [smem:$0x3F98];
	_ =	swait.ge [sflag:s4], $0x0  }
0x19: {  	s7 =	sld [smem:$0x3F99]  }
0x1a: {  	s8 =	sadd.s32 $0xFFFFE003, lr  }
0x1b: {  	s9 =	sadd.s32 $0xFFFFFEF7, lr;
	s5 =	simm.s32 $0xFFFFFFFF;
	p2 =	slt.u32 s8, $0xFFFFF086  }
0x1c: {  	p1 =	slt.u32 s9, $0xF7A;
	s5 =	simm.s32 @!p2 $0x0  }
0x1d: {  	s5 =	simm.s32 @p1 $0x1;
	p0 =	seq.s32 s7, s2  }
0x1e: {  	s7 =	smul.u32 @!p0 $0xF7A, s2;
	p2 =	seq.s32 @!p0 s5, $0x0  }
0x1f: {  	s9 =	smul.u32 $0xF7A, s1;
	s8 =	simm.s32 @!p0 $0x1BF5;
	p2 =	por !p2, p0  }
0x20: {  	[sflag:s8] =	ssyncset.s32 @!p0 $0xFFFFF086;
	s6 =	sadd.s32 @!p0 s3, s7;
	s7 =	simm.s32 @!p0 $0x108  }
0x21: {  	s3 =	sadd.s32 s3, s9;
	s6 =	sadd.s32 @!p0 $0x88, s6;
	s7 =	simm.s32 @p2 $0x1082  }
0x22: {  	[simem:s7], [sflag:s8] =	dma.local @!p0 [hbm:s6], $0xF7A  }
0x23: {  	s9 =	sor.u32 $0xD0000000, s2;
	s6 =	simm.s32 $0x108;
	_ =	swait.ge @!p0 [sflag:s8], $0x0  }
0x24: {  	s3 =	sadd.s32 $0x88, s3;
	s6 =	simm.s32 @!p1 $0x1082;
	[sflag:s4] =	ssyncset.s32 $0xFFFFF086  }
0x25: {  	[simem:s6], [sflag:s4] =	dma.local [hbm:s3], $0xF7A  }
0x26: {  	[smem:$0x3F99] =	sst s1;
	(tag) =	ssettag s2;
	_ =	strace s9  }
0x27: {  	s1 =	sld [smem:$0x3FA9]  }
0x28: {  	s2 =	sld [smem:$0x3FAA]  }
0x29: {  	s4 =	sld [smem:$0x3FAC]  }
0x2a: {  	p0 =	seq.s32 s5, $0x0;
	s5 =	sld [smem:$0x3FAD]  }
0x2b: {  	s6 =	sld [smem:$0x3FAE]  }
0x2c: {  	s7 =	sld [smem:$0x3FAF]  }
0x2d: {  	s3 =	simm.s32 $0x108;
	s8 =	sld [smem:$0x3FB0]  }
0x2e: {  	s3 =	simm.s32 @!p0 $0x1082;
	s9 =	sld [smem:$0x3FB1]  }
0x2f: {  	lr =	sadd.s32 s0, s3;
	s0 =	sld [smem:$0x3FA8]  }
0x30: {  	s3 =	sld [smem:$0x3FAB]  }
0x31: {  	[smem:$0x3FB4] =	sst s10  }
0x32: {  	s10 =	sld [smem:$0x3FB2];
	_ =	sdelay $0x3  }
0x33: {  	p0 =	seq.s32 s10, $0x1;
	s10 =	sld [smem:$0x3FB4];
	_ =	sdelay $0x3  }
0x34: {  	[smem:$0x3FB4] =	sst s10  }
0x35: {  	s10 =	sld [smem:$0x3FB3];
	_ =	sdelay $0x3  }
0x36: {  	p1 =	seq.s32 s10, $0x1;
	s10 =	sld [smem:$0x3FB4];
	_ =	sdelay $0x3  }
0x37: {  	[smem:$0x3FB4] =	sst s10  }
0x38: {  	s10 =	sld [smem:$0x3FB5]  }
0x39: {  	_ = 	snop;
	(pc) =	sbr.ind lr, $3  }
0x3a: {  	_ = 	snop  }
0x3b: {  	_ = 	snop  }
0x3c: {  	p2 =	seq.s32 s10, $0x1;
	s10 =	sld [smem:$0x3FB4]  }
0x3d: {  	_ =	shalt  }
0x3e: {  	_ =	shalt  }
0x3f: {  	_ =	shalt  }
0x40: {  	_ =	shalt  }
0x41: {  	_ =	shalt  }
0x42: {  	_ =	shalt  }
0x43: {  	_ =	shalt  }
0x44: {  	_ =	shalt  }
0x45: {  	_ =	shalt  }
0x46: {  	_ =	shalt  }
0x47: {  	_ =	shalt  }
0x48: {  	_ =	shalt  }
0x49: {  	_ =	shalt  }
0x4a: {  	_ =	shalt  }
0x4b: {  	_ =	shalt  }
0x4c: {  	_ =	shalt  }
0x4d: {  	_ =	shalt  }
0x4e: {  	_ =	shalt  }
0x4f: {  	_ =	shalt  }
0x50: {  	_ =	shalt  }
0x51: {  	_ =	shalt  }
0x52: {  	_ =	shalt  }
0x53: {  	_ =	shalt  }
0x54: {  	_ =	shalt  }
0x55: {  	_ =	shalt  }
0x56: {  	_ =	shalt  }
0x57: {  	_ =	shalt  }
0x58: {  	_ =	shalt  }
0x59: {  	_ =	shalt  }
0x5a: {  	_ =	shalt  }
0x5b: {  	_ =	shalt  }
0x5c: {  	_ =	shalt  }
0x5d: {  	_ =	shalt  }
0x5e: {  	_ =	shalt  }
0x5f: {  	_ =	shalt  }
0x60: {  	_ =	shalt  }
0x61: {  	_ =	shalt  }
0x62: {  	_ =	shalt  }
0x63: {  	_ =	shalt  }
0x64: {  	_ =	shalt  }
0x65: {  	_ =	shalt  }
0x66: {  	_ =	shalt  }
0x67: {  	_ =	shalt  }
0x68: {  	_ =	shalt  }
0x69: {  	_ =	shalt  }
0x6a: {  	_ =	shalt  }
0x6b: {  	_ =	shalt  }
0x6c: {  	_ =	shalt  }
0x6d: {  	_ =	shalt  }
0x6e: {  	_ =	shalt  }
0x6f: {  	_ =	shalt  }
0x70: {  	_ =	shalt  }
0x71: {  	_ =	shalt  }
0x72: {  	_ =	shalt  }
0x73: {  	_ =	shalt  }
0x74: {  	_ =	shalt  }
0x75: {  	_ =	shalt  }
0x76: {  	_ =	shalt  }
0x77: {  	_ =	shalt  }
0x78: {  	_ =	shalt  }
0x79: {  	_ =	shalt  }
0x7a: {  	_ =	shalt  }
0x7b: {  	_ =	shalt  }
0x7c: {  	_ =	shalt  }
0x7d: {  	_ =	shalt  }
0x7e: {  	_ =	shalt  }
0x7f: {  	_ =	shalt  }
0x80: {  	_ =	shalt  }
0x81: {  	_ =	shalt  }
0x82: {  	_ =	shalt  }
0x83: {  	_ =	shalt  }
0x84: {  	_ =	shalt  }
0x85: {  	_ =	shalt  }
0x86: {  	_ =	shalt  }
0x87: {  	_ =	shalt  }
.Lfunc_end0:
.L_simem_size_0:
called_computation.2_lowered:
.L_overlay_start_0:
0x88: {  	s2 =	sld [smem:$0x3FD9]  }
0x89: {  	s3 =	sld [smem:$0x3FFE];
	_ =	sdelay $0x1  }
0x8a: {  	s1 =	srdreg.scid  }
0x8b: {  	s0 =	sand.u32 $0x1, s1  }
0x8c: {  	s17 =	sshll.u32 s0, $0xA;
	s2 =	sadd.s32 s3, s2  }
0x8d: {  	s2 =	sadd.s32 s2, s17  }
0x8e: {  	[smem:$0x3FC0] =	sst s2  }
0x8f: {  	_ = 	snop  }
0x90: {  	s2 =	sld [smem:$0x3FD0];
	(tm) =	ssettm $0x1  }
0x91: {  	s18 =	sld [smem:$0x3FFB];
	_ =	sdelay $0x3  }
0x92: {  	_ =	strace s18  }
0x93: {  	s3 =	sld [smem:$0x3FFC];
	_ =	sdelay $0x3  }
0x94: {  	_ =	strace s3  }
0x95: {  	s3 =	sld [smem:$0x3FFD];
	_ =	sdelay $0x3  }
0x96: {  	_ =	strace s3  }
0x97: {  	_ =	strace $0x8FFFFFFF  }
0x98: {  	s19 =	sld [smem:$0x3FDB];
	_ =	sdelay $0x1  }
0x99: {  	s4 =	simm.s32 $_scs_section_size  }
0x9a: {  	s5 =	simm.s32 $_size__tile_overlayer_lowered;
	s6 =	simm.s32 $_tile_overlayer_lowered  }
0x9b: {  	s22 =	simm.s32 $0x1BFF;
	s21 =	sshll.u32 s6, $0x1;
	s3 =	sadd.s32 s4, s19  }
0x9c: {  	s7 =	simm.s32 $0x0;
	s20 =	sshll.u32 s5, $0x1;
	s5 =	sadd.s32 s21, s3  }
0x9d: {  	[timem:s7], [sflag:s22] =	dma.local [hbm:s5], s20  }
0x9e: {  	_ =	swait.ge [sflag:s22], s20  }
0x9f: {  	s4 =	ssub.s32 $0x0, s20;
	[sflag:s22] =	ssyncset.done $0x0  }
0xa0: {  	[sflag:s22] =	ssyncadd.s32 s4;
	_ =	sdelay $0x1  }
0xa1: {  	s23 =	simm.s32 $0x1B8B  }
0xa2: {  	_ =	swait.ge [sflag:s23], $0x1  }
0xa3: {  	[sflag:s23] =	ssyncset.done $0x0  }
0xa4: {  	s25 =	simm.s32 $0x1B8E;
	s24 =	sld [smem:$0x3FFE];
	[sflag:s23] =	ssyncadd.s32 $0xFFFFFFFF  }
0xa5: {  	s26 =	simm.s32 $execute0_lowered;
	[smem:$0x3FD2] =	sst s25  }
0xa6: {  	s5 =	sshll.u32 s26, $0x1;
	_ =	strace $0x8000004C;
	[dreg:$0x1] =	wrdreg $0xFFFFFFFF  }
0xa7: {  	s28 =	simm.s32 $_size_execute0_lowered;
	s3 =	sadd.s32 s3, s5;
	[dreg:$0x0] =	wrdreg $0x0  }
0xa8: {  	s5 =	sshll.u32 s28, $0x1;
	[dreg:$0x2] =	wrdreg s3  }
0xa9: {  	[dreg:$0x3] =	wrdreg s5  }
0xaa: {  	[dreg:$0x4] =	wrdreg $0xC0  }
0xab: {  	_ =	task [dreg:s7], $0x5FFFF  }
0xac: {  	[dreg:$0x1] =	wrdreg $0xFFFFFFFF  }
0xad: {  	[dreg:$0x0] =	wrdreg $0x60  }
0xae: {  	[dreg:$0x2] =	wrdreg s2  }
0xaf: {  	[dreg:$0x3] =	wrdreg s24  }
0xb0: {  	[dreg:$0x4] =	wrdreg $0x88000  }
0xb1: {  	[dreg:$0x5] =	wrdreg $0x9  }
0xb2: {  	_ =	task.clear_ibuf [dreg:s7], $0x6FFFF;
	_ =	strace $0x9000004C  }
0xb3: {  	s29 =	simm.s32 $0x9;
	_ =	strace $0x8000004E  }
0xb4: {  	_ =	swait.ge [sflag:s29], $0x1  }
0xb5: {  	[sflag:s29] =	ssyncadd.s32 $0xFFFFFFFF  }
0xb6: {  	_ =	strace $0x9000004E  }
0xb7: {  	_ =	sfence  }
0xb8: {  	s30 =	sld [smem:$0x0];
	_ =	sdelay $0x2  }
0xb9: {  	s31 =	sshll.u32 s1, $0xD;
	s1 =	sshrl.u32 s1, $0x2  }
0xba: {  	s3 =	sand.u32 $0x4000, s31;
	s1 =	sadd.s32 s1, s30  }
0xbb: {  	s0 =	sor.u32 s3, s0;
	s1 =	sshll.u32 s1, $0x11  }
0xbc: {  	s0 =	sor.u32 s1, s0  }
0xbd: {  	s0 =	sadd.s32 $0x8F2B, s0  }
0xbe: {  	[sflag:s0] =	ssyncadd.remote.s32 $0x1  }
0xbf: {  	_ =	sfence.sel $0xFFFF  }
0xc0: {  	[dreg:$0x0] =	wrdreg $0xFFFFFFFF;
	(pc) =	sbr.abs _section_cstart, $3  }
0xc1: {  	[dreg:$0x1] =	wrdreg $0xFFFFFFFF  }
0xc2: {  	_ =	task.clear_ibuf [dreg:s7], $0x2FFFF;
	_ =	strace $0x9FFFFFFF  }
0xc3: {  	(tm) =	ssettm $0x7FFFFFFF  }
tec
execute0_lowered:
.L_overlay_start_1:
0x0: {  	(tag) =	ssettag $0x1  }
0x1: {  	s1 =	rddreg [dreg:$0x0]  }
0x2: {  	s6 =	rddreg [dreg:$0x1]  }
0x3: {  	s3 =	rddreg [dreg:$0x2];
	s2 =	srdreg.scid  }
0x4: {  	s0 =	stileid.u32;
	s15 =	simm.s32 $0x4800;
	s16 =	simm.s32 $0x1  }
0x5: {  	s17 =	simm.s32 $0x0;
	s7 =	sand.u32 $0x1, s2;
	s5 =	smul.u32 $0x48, s0  }
0x6: {  	s4 =	sshll.u32 s0, $0x3;
	s2 =	rddreg [dreg:$0x3];
	s28 =	smul.u32 $0x14000, s0  }
0x7: {  	s11 =	smul.u32 $0x50000, s0;
	s31 =	sshll.u32 s0, $0x6;
	p0 =	seq.s32 s7, $0x0  }
0x8: {  	s8 =	sor.u32 $0x480, s4;
	s4 =	simm.s32 $0x0;
	s9 =	smul.u32 $0x140000, s7  }
0x9: {  	s7 =	ssub.s32 $0x2, s7;
	s8 =	smov.u32 @p0 s5;
	[smem:$0x7FF] =	sst s4  }
0xa: {  	s29 =	sshrl.u32 s7, $0x1;
	s30 =	sshrl.u32 s11, $0x2;
	s11 =	simm.s32 $0x2  }
0xb: {  	s5 =	sshll.u32 s8, $0x4;
	_ =	strace $0x8000004D;
	s8 =	sadd.s32 s28, s9  }
0xc: {  	s13 =	ssub.s32 s7, s29;
	s14 =	sadd.s32 s30, s3;
	s8 =	sshrl.u32 s8, $0x3  }
0xd: {  	s10 =	sadd.s32 s5, s6;
	s5 =	sadd.s32 $0xD000, s6;
	s12 =	sadd.s32 s8, s6  }
0xe: {  	s6 =	simm.s32 $0x48;
	s7 =	sadd.s32 $0x7C00, s10;
	s8 =	sadd.s32 $0x2800, s10  }
0xf: {  	s10 =	smax.u32 s13, $0x1;
	s13 =	sshrl.u32 s14, $0x3;
	s14 =	simm.s32 $0x80  }
0x10: {  	s6 =	simm.s32 @!p0 $0x8;
	s9 =	sadd.s32 $0x5F800, s12;
	s12 =	sor.u32 $0x1C02, s31  }
.LBB2_1:
0x11: {  	[tilespmem:s4], [sflag:$0x2] =	stream.linear.gather [hbm4b:s7+s4], $0x2400, $0x38;
	[tilespmem:$0x1C800] =	vst v63  }
0x12: {  	_ =	swait.ge [sflag:s11], $0x2400  }
0x13: {  	[sflag:s11] =	ssyncset.done $0x0  }
0x14: {  	s18 =	simm.s32 $0x2400;
	[sflag:s11] =	ssyncadd.s32 $0xFFFFDC00  }
0x15: {  	[tilespmem:s18], [sflag:$0x2] =	stream.linear.gather [hbm4b:s8+s4], $0x2400, $0x38;
	[tilespmem:$0x1C800] =	vst v63  }
0x16: {  	_ =	swait.ge [sflag:s11], $0x2400  }
0x17: {  	[sflag:s11] =	ssyncset.done $0x0  }
0x18: {  	[sflag:s11] =	ssyncadd.s32 $0xFFFFDC00  }
0x19: {  	[spmem:s13], [sflag:s12] =	dma.local [hbm:s5], $0x2800  }
0x1a: {  	_ =	swait.ge [sflag:s11], $0x2800  }
0x1b: {  	[sflag:s11] =	ssyncset.done $0x0  }
0x1c: {  	[sflag:s11] =	ssyncadd.s32 $0xFFFFD800  }
0x1d: {  	[bflag:$0x0] =	sbarrier.arrive $0xFFFF  }
0x1e: {  	[tilespmem:s15], [sflag:$0x1] =	stream.indirect.gather [hbm4b:s1+s14], $0x80, s4, s14, $0xb8;
	[tilespmem:$0x1C800] =	vst v63  }
0x1f: {  	p0 =	sne.s32 s6, $0x1;
	_ =	swait.ge [sflag:s16], $0x4000  }
.Ltmp0:
0x20: {  	[sflag:s16] =	ssyncset.done $0x0;
	(pc) =	sbr.rel @!p0 .LBB2_3-.Ltmp0, $4  }
0x21: {  	[sflag:s16] =	ssyncadd.s32 $0xFFFFC000  }
0x22: {  	[spmem:s3] =	stream.indirect.scatter.add.f32 [tilespmem:s15], [sflag:$0x2], $0x80, s18, s14, $0xb8;
	[tilespmem:$0x1C800] =	vst v63  }
0x23: {  	_ =	swait.ge [sflag:s11], $0x4000  }
0x24: {  	s19 =	sadd.s32 $0xFFFFFFFF, s6;
	s20 =	simm.s32 $0x0;
	[sflag:s11] =	ssyncset.done $0x0  }
.LBB2_2:
0x25: {  	[sflag:s11] =	ssyncadd.s32 $0xFFFFC000;
	s20 =	sadd.s32 $0x80, s20;
	s18 =	sadd.s32 $0x80, s18  }
0x26: {  	[tilespmem:s15], [sflag:$0x1] =	stream.indirect.gather [hbm4b:s1+s14], $0x80, s20, s14, $0xb8;
	[tilespmem:$0x1C800] =	vst v63  }
0x27: {  	p0 =	sne.s32 s19, $0x1;
	s19 =	sadd.s32 $0xFFFFFFFF, s19;
	_ =	swait.ge [sflag:s16], $0x4000  }
.Ltmp1:
0x28: {  	[sflag:s16] =	ssyncset.done $0x0;
	(pc) =	sbr.rel @p0 .LBB2_2-.Ltmp1, $4  }
0x29: {  	[sflag:s16] =	ssyncadd.s32 $0xFFFFC000  }
0x2a: {  	[spmem:s3] =	stream.indirect.scatter.add.f32 [tilespmem:s15], [sflag:$0x2], $0x80, s18, s14, $0xb8;
	[tilespmem:$0x1C800] =	vst v63  }
0x2b: {  	_ =	swait.ge [sflag:s11], $0x4000  }
0x2c: {  	[sflag:s11] =	ssyncset.done $0x0  }
.LBB2_3:
0x2d: {  	s17 =	sadd.s32 $0x1, s17  }
0x2e: {  	[sflag:s11] =	ssyncadd.s32 $0xFFFFC000;
	p0 =	sne.s32 s17, s10  }
.Ltmp2:
0x2f: {  	[bflag:$0x0] =	sbarrier.arrive $0xFFFF;
	(pc) =	sbr.rel @p0 .LBB2_1-.Ltmp2, $4  }
0x30: {  	[hbm:s9], [sflag:s12] =	dma.local [spmem:s13], $0x2800  }
0x31: {  	_ =	swait.ge [sflag:s11], $0x2800  }
0x32: {  	[sflag:s11] =	ssyncset.done $0x0  }
0x33: {  	[sflag:s11] =	ssyncadd.s32 $0xFFFFD800  }
0x34: {  	_ =	sfence.sel $0x180000  }
0x35: {  	[bflag:$0x0] =	sbarrier.arrive $0xFFFF  }
0x36: {  	p0 =	sne.s32 s0, $0x0;
	_ =	strace $0x9000004D  }
0x37: {  	s0 =	sadd.s32 @!p0 $0x100000, s2;
	[bflag:$0x2] =	sbarrier.arrive $0xFFFF  }
0x38: {  	[sflag:s0] =	ssyncadd.tile.s32 @!p0 $0x1;
	_ =	shalt  }
.Lfunc_end2:
_tile_overlayer_lowered:
.L_overlay_start_2:
0x39: {  	(tag) =	ssettag $0x2  }
0x3a: {  	s0 =	rddreg [dreg:$0x0];
	s2 =	stileid.u32  }
0x3b: {  	s1 =	rddreg [dreg:$0x1];
	p0 =	sne.s32 s2, $0x0  }
0x3c: {  	s3 =	rddreg [dreg:$0x2];
	[bflag:$0x3] =	sbarrier.arrive $0xFFFF;
	s2 =	simm.s32 @!p0 $0x1C02  }
0x3d: {  	[timem:s3], [sflag:s2] =	dma.local @!p0 [hbm:s0], s1  }
0x3e: {  	s0 =	simm.s32 @!p0 $0x2  }
0x3f: {  	_ =	swait.ge @!p0 [sflag:s0], s1  }
0x40: {  	s1 =	ssub.s32 @!p0 $0x0, s1;
	[sflag:s0] =	ssyncset.done @!p0 $0x0  }
0x41: {  	[sflag:s0] =	ssyncadd.s32 @!p0 s1  }
0x42: {  	[bflag:$0x3] =	sbarrier.arrive $0xFFFF  }
0x43: {  	_ =	shalt  }

// kernel: kernel.8.cloned.1.call-start
scs
__scs_entry_jumppad:
0x0: {  	(pc) =	sbr.rel $0x88, $3  }
0x1: {  	(tag) =	ssettag $0x0;
	lr =	simm.s32 $0x1  }
0x2: {  	[smem:$0x3F99] =	sst lr;
	_ =	strace $0xD0000000  }
0x3: {  	_ = 	snop  }
0x4: {  	_ = 	snop  }
0x5: {  	_ = 	snop  }
0x6: {  	_ = 	snop  }
0x7: {  	_ = 	snop  }
__scs_overlays_trampoline_lowered:
0x8: {  	[smem:$0x3FA8] =	sst s0  }
0x9: {  	[smem:$0x3FA9] =	sst s1  }
0xa: {  	[smem:$0x3FAA] =	sst s2  }
0xb: {  	[smem:$0x3FAB] =	sst s3  }
0xc: {  	[smem:$0x3FAC] =	sst s4  }
0xd: {  	[smem:$0x3FAD] =	sst s5  }
0xe: {  	[smem:$0x3FAE] =	sst s6  }
0xf: {  	[smem:$0x3FAF] =	sst s7  }
0x10: {  	[smem:$0x3FB0] =	sst s8  }
0x11: {  	[smem:$0x3FB1] =	sst s9;
	s0 =	simm.s32 @!p0 $0x0  }
0x12: {  	s1 =	sld [smem:$0x3F97];
	s0 =	simm.s32 @p0 $0x1  }
0x13: {  	[smem:$0x3FB2] =	sst s0;
	s0 =	simm.s32 @!p1 $0x0  }
0x14: {  	s2 =	sld [smem:$0x3F96];
	s0 =	simm.s32 @p1 $0x1  }
0x15: {  	[smem:$0x3FB3] =	sst s0;
	s0 =	simm.s32 @!p2 $0x0  }
0x16: {  	s3 =	sld [smem:$0x3FDB];
	s0 =	simm.s32 @p2 $0x1  }
0x17: {  	s4 =	simm.s32 $0x1BF5;
	[smem:$0x3FB5] =	sst s0  }
0x18: {  	s0 =	sld [smem:$0x3F98];
	_ =	swait.ge [sflag:s4], $0x0  }
0x19: {  	s7 =	sld [smem:$0x3F99]  }
0x1a: {  	s8 =	sadd.s32 $0xFFFFE003, lr  }
0x1b: {  	s9 =	sadd.s32 $0xFFFFFEF7, lr;
	s5 =	simm.s32 $0xFFFFFFFF;
	p2 =	slt.u32 s8, $0xFFFFF086  }
0x1c: {  	p1 =	slt.u32 s9, $0xF7A;
	s5 =	simm.s32 @!p2 $0x0  }
0x1d: {  	s5 =	simm.s32 @p1 $0x1;
	p0 =	seq.s32 s7, s2  }
0x1e: {  	s7 =	smul.u32 @!p0 $0xF7A, s2;
	p2 =	seq.s32 @!p0 s5, $0x0  }
0x1f: {  	s9 =	smul.u32 $0xF7A, s1;
	s8 =	simm.s32 @!p0 $0x1BF5;
	p2 =	por !p2, p0  }
0x20: {  	[sflag:s8] =	ssyncset.s32 @!p0 $0xFFFFF086;
	s6 =	sadd.s32 @!p0 s3, s7;
	s7 =	simm.s32 @!p0 $0x108  }
0x21: {  	s3 =	sadd.s32 s3, s9;
	s6 =	sadd.s32 @!p0 $0x88, s6;
	s7 =	simm.s32 @p2 $0x1082  }
0x22: {  	[simem:s7], [sflag:s8] =	dma.local @!p0 [hbm:s6], $0xF7A  }
0x23: {  	s9 =	sor.u32 $0xD0000000, s2;
	s6 =	simm.s32 $0x108;
	_ =	swait.ge @!p0 [sflag:s8], $0x0  }
0x24: {  	s3 =	sadd.s32 $0x88, s3;
	s6 =	simm.s32 @!p1 $0x1082;
	[sflag:s4] =	ssyncset.s32 $0xFFFFF086  }
0x25: {  	[simem:s6], [sflag:s4] =	dma.local [hbm:s3], $0xF7A  }
0x26: {  	[smem:$0x3F99] =	sst s1;
	(tag) =	ssettag s2;
	_ =	strace s9  }
0x27: {  	s1 =	sld [smem:$0x3FA9]  }
0x28: {  	s2 =	sld [smem:$0x3FAA]  }
0x29: {  	s4 =	sld [smem:$0x3FAC]  }
0x2a: {  	p0 =	seq.s32 s5, $0x0;
	s5 =	sld [smem:$0x3FAD]  }
0x2b: {  	s6 =	sld [smem:$0x3FAE]  }
0x2c: {  	s7 =	sld [smem:$0x3FAF]  }
0x2d: {  	s3 =	simm.s32 $0x108;
	s8 =	sld [smem:$0x3FB0]  }
0x2e: {  	s3 =	simm.s32 @!p0 $0x1082;
	s9 =	sld [smem:$0x3FB1]  }
0x2f: {  	lr =	sadd.s32 s0, s3;
	s0 =	sld [smem:$0x3FA8]  }
0x30: {  	s3 =	sld [smem:$0x3FAB]  }
0x31: {  	[smem:$0x3FB4] =	sst s10  }
0x32: {  	s10 =	sld [smem:$0x3FB2];
	_ =	sdelay $0x3  }
0x33: {  	p0 =	seq.s32 s10, $0x1;
	s10 =	sld [smem:$0x3FB4];
	_ =	sdelay $0x3  }
0x34: {  	[smem:$0x3FB4] =	sst s10  }
0x35: {  	s10 =	sld [smem:$0x3FB3];
	_ =	sdelay $0x3  }
0x36: {  	p1 =	seq.s32 s10, $0x1;
	s10 =	sld [smem:$0x3FB4];
	_ =	sdelay $0x3  }
0x37: {  	[smem:$0x3FB4] =	sst s10  }
0x38: {  	s10 =	sld [smem:$0x3FB5]  }
0x39: {  	_ = 	snop;
	(pc) =	sbr.ind lr, $3  }
0x3a: {  	_ = 	snop  }
0x3b: {  	_ = 	snop  }
0x3c: {  	p2 =	seq.s32 s10, $0x1;
	s10 =	sld [smem:$0x3FB4]  }
0x3d: {  	_ =	shalt  }
0x3e: {  	_ =	shalt  }
0x3f: {  	_ =	shalt  }
0x40: {  	_ =	shalt  }
0x41: {  	_ =	shalt  }
0x42: {  	_ =	shalt  }
0x43: {  	_ =	shalt  }
0x44: {  	_ =	shalt  }
0x45: {  	_ =	shalt  }
0x46: {  	_ =	shalt  }
0x47: {  	_ =	shalt  }
0x48: {  	_ =	shalt  }
0x49: {  	_ =	shalt  }
0x4a: {  	_ =	shalt  }
0x4b: {  	_ =	shalt  }
0x4c: {  	_ =	shalt  }
0x4d: {  	_ =	shalt  }
0x4e: {  	_ =	shalt  }
0x4f: {  	_ =	shalt  }
0x50: {  	_ =	shalt  }
0x51: {  	_ =	shalt  }
0x52: {  	_ =	shalt  }
0x53: {  	_ =	shalt  }
0x54: {  	_ =	shalt  }
0x55: {  	_ =	shalt  }
0x56: {  	_ =	shalt  }
0x57: {  	_ =	shalt  }
0x58: {  	_ =	shalt  }
0x59: {  	_ =	shalt  }
0x5a: {  	_ =	shalt  }
0x5b: {  	_ =	shalt  }
0x5c: {  	_ =	shalt  }
0x5d: {  	_ =	shalt  }
0x5e: {  	_ =	shalt  }
0x5f: {  	_ =	shalt  }
0x60: {  	_ =	shalt  }
0x61: {  	_ =	shalt  }
0x62: {  	_ =	shalt  }
0x63: {  	_ =	shalt  }
0x64: {  	_ =	shalt  }
0x65: {  	_ =	shalt  }
0x66: {  	_ =	shalt  }
0x67: {  	_ =	shalt  }
0x68: {  	_ =	shalt  }
0x69: {  	_ =	shalt  }
0x6a: {  	_ =	shalt  }
0x6b: {  	_ =	shalt  }
0x6c: {  	_ =	shalt  }
0x6d: {  	_ =	shalt  }
0x6e: {  	_ =	shalt  }
0x6f: {  	_ =	shalt  }
0x70: {  	_ =	shalt  }
0x71: {  	_ =	shalt  }
0x72: {  	_ =	shalt  }
0x73: {  	_ =	shalt  }
0x74: {  	_ =	shalt  }
0x75: {  	_ =	shalt  }
0x76: {  	_ =	shalt  }
0x77: {  	_ =	shalt  }
0x78: {  	_ =	shalt  }
0x79: {  	_ =	shalt  }
0x7a: {  	_ =	shalt  }
0x7b: {  	_ =	shalt  }
0x7c: {  	_ =	shalt  }
0x7d: {  	_ =	shalt  }
0x7e: {  	_ =	shalt  }
0x7f: {  	_ =	shalt  }
0x80: {  	_ =	shalt  }
0x81: {  	_ =	shalt  }
0x82: {  	_ =	shalt  }
0x83: {  	_ =	shalt  }
0x84: {  	_ =	shalt  }
0x85: {  	_ =	shalt  }
0x86: {  	_ =	shalt  }
0x87: {  	_ =	shalt  }
.Lfunc_end0:
.L_simem_size_0:
called_computation_lowered:
.L_overlay_start_0:
0x88: {  	s2 =	sld [smem:$0x3FD9]  }
0x89: {  	s3 =	sld [smem:$0x3FFE];
	_ =	sdelay $0x1  }
0x8a: {  	s1 =	srdreg.scid  }
0x8b: {  	s0 =	sand.u32 $0x1, s1  }
0x8c: {  	s17 =	sshll.u32 s0, $0xA;
	s2 =	sadd.s32 s3, s2  }
0x8d: {  	s2 =	sadd.s32 s2, s17  }
0x8e: {  	[smem:$0x3FC0] =	sst s2  }
0x8f: {  	_ = 	snop  }
0x90: {  	s2 =	sld [smem:$0x3FD0];
	(tm) =	ssettm $0x1  }
0x91: {  	s18 =	sld [smem:$0x3FFB];
	_ =	sdelay $0x3  }
0x92: {  	_ =	strace s18  }
0x93: {  	s3 =	sld [smem:$0x3FFC];
	_ =	sdelay $0x3  }
0x94: {  	_ =	strace s3  }
0x95: {  	s3 =	sld [smem:$0x3FFD];
	_ =	sdelay $0x3  }
0x96: {  	_ =	strace s3  }
0x97: {  	_ =	strace $0x8FFFFFFF  }
0x98: {  	s19 =	sld [smem:$0x3FDB];
	_ =	sdelay $0x1  }
0x99: {  	s4 =	simm.s32 $_scs_section_size  }
0x9a: {  	s5 =	simm.s32 $_size__tile_overlayer_lowered;
	s6 =	simm.s32 $_tile_overlayer_lowered  }
0x9b: {  	s22 =	simm.s32 $0x1BFF;
	s21 =	sshll.u32 s6, $0x1;
	s3 =	sadd.s32 s4, s19  }
0x9c: {  	s7 =	simm.s32 $0x0;
	s20 =	sshll.u32 s5, $0x1;
	s5 =	sadd.s32 s21, s3  }
0x9d: {  	[timem:s7], [sflag:s22] =	dma.local [hbm:s5], s20  }
0x9e: {  	_ =	swait.ge [sflag:s22], s20  }
0x9f: {  	s4 =	ssub.s32 $0x0, s20;
	[sflag:s22] =	ssyncset.done $0x0  }
0xa0: {  	[sflag:s22] =	ssyncadd.s32 s4;
	_ =	sdelay $0x1  }
0xa1: {  	s23 =	simm.s32 $0x1B8B  }
0xa2: {  	_ =	swait.ge [sflag:s23], $0x1  }
0xa3: {  	[sflag:s23] =	ssyncset.done $0x0  }
0xa4: {  	s25 =	simm.s32 $0x1B8E;
	s24 =	sld [smem:$0x3FFE];
	[sflag:s23] =	ssyncadd.s32 $0xFFFFFFFF  }
0xa5: {  	s26 =	simm.s32 $execute0_lowered;
	[smem:$0x3FD2] =	sst s25  }
0xa6: {  	s5 =	sshll.u32 s26, $0x1;
	_ =	strace $0x80000046;
	[dreg:$0x1] =	wrdreg $0xFFFFFFFF  }
0xa7: {  	s28 =	simm.s32 $_size_execute0_lowered;
	s3 =	sadd.s32 s3, s5;
	[dreg:$0x0] =	wrdreg $0x0  }
0xa8: {  	s5 =	sshll.u32 s28, $0x1;
	[dreg:$0x2] =	wrdreg s3  }
0xa9: {  	[dreg:$0x3] =	wrdreg s5  }
0xaa: {  	[dreg:$0x4] =	wrdreg $0xC0  }
0xab: {  	_ =	task [dreg:s7], $0x5FFFF  }
0xac: {  	[dreg:$0x1] =	wrdreg $0xFFFFFFFF  }
0xad: {  	[dreg:$0x0] =	wrdreg $0x60  }
0xae: {  	[dreg:$0x2] =	wrdreg s24  }
0xaf: {  	[dreg:$0x3] =	wrdreg s2  }
0xb0: {  	[dreg:$0x4] =	wrdreg $0x54000  }
0xb1: {  	[dreg:$0x5] =	wrdreg $0x9  }
0xb2: {  	_ =	task.clear_ibuf [dreg:s7], $0x6FFFF;
	_ =	strace $0x90000046  }
0xb3: {  	s29 =	simm.s32 $0x9;
	_ =	strace $0x80000048  }
0xb4: {  	_ =	swait.ge [sflag:s29], $0x1  }
0xb5: {  	[sflag:s29] =	ssyncadd.s32 $0xFFFFFFFF  }
0xb6: {  	_ =	strace $0x90000048  }
0xb7: {  	_ =	sfence  }
0xb8: {  	s30 =	sld [smem:$0x0];
	_ =	sdelay $0x2  }
0xb9: {  	s31 =	sshll.u32 s1, $0xD;
	s1 =	sshrl.u32 s1, $0x2  }
0xba: {  	s3 =	sand.u32 $0x4000, s31;
	s1 =	sadd.s32 s1, s30  }
0xbb: {  	s0 =	sor.u32 s3, s0;
	s1 =	sshll.u32 s1, $0x11  }
0xbc: {  	s0 =	sor.u32 s1, s0  }
0xbd: {  	s0 =	sadd.s32 $0x8F2B, s0  }
0xbe: {  	[sflag:s0] =	ssyncadd.remote.s32 $0x1  }
0xbf: {  	_ =	sfence.sel $0xFFFF  }
0xc0: {  	[dreg:$0x0] =	wrdreg $0xFFFFFFFF;
	(pc) =	sbr.abs _section_cstart, $3  }
0xc1: {  	[dreg:$0x1] =	wrdreg $0xFFFFFFFF  }
0xc2: {  	_ =	task.clear_ibuf [dreg:s7], $0x2FFFF;
	_ =	strace $0x9FFFFFFF  }
0xc3: {  	(tm) =	ssettm $0x7FFFFFFF  }
tec
execute0_lowered:
.L_overlay_start_1:
0x0: {  	(tag) =	ssettag $0x1  }
0x1: {  	s7 =	rddreg [dreg:$0x0]  }
0x2: {  	s0 =	srdreg.scid;
	s2 =	rddreg [dreg:$0x1]  }
0x3: {  	s3 =	rddreg [dreg:$0x2];
	s4 =	simm.s32 $0x0;
	s6 =	sand.u32 $0x1, s0  }
0x4: {  	s13 =	simm.s32 $0x80;
	s0 =	stileid.u32;
	s8 =	smul.u32 $0x140000, s6  }
0x5: {  	s14 =	simm.s32 $0x0;
	[smem:$0x7FF] =	sst s4;
	s9 =	smul.u32 $0x14000, s0  }
0x6: {  	s1 =	sshll.u32 s6, $0x4;
	s30 =	smul.u32 $0x50000, s0;
	s6 =	ssub.s32 $0x2, s6  }
0x7: {  	s11 =	sshll.u32 s0, $0x6;
	s1 =	sor.u32 s0, s1;
	s31 =	sshrl.u32 s6, $0x1  }
0x8: {  	s11 =	sor.u32 $0x1C01, s11;
	s5 =	smul.u32 $0x280, s1;
	s1 =	rddreg [dreg:$0x3]  }
0x9: {  	_ =	strace $0x80000047;
	s8 =	sadd.s32 s9, s8;
	s9 =	sshrl.u32 s30, $0x2  }
0xa: {  	s8 =	sshrl.u32 s8, $0x3;
	s12 =	sadd.s32 s9, s3;
	s9 =	simm.s32 $0x1400  }
0xb: {  	s10 =	sadd.s32 s5, s7;
	s5 =	sadd.s32 $0xD000, s7;
	s7 =	sadd.s32 s8, s7  }
0xc: {  	s8 =	ssub.s32 s6, s31;
	s12 =	sshrl.u32 s12, $0x3;
	s6 =	sadd.s32 $0x2800, s10  }
0xd: {  	s7 =	sadd.s32 $0xF800, s7;
	s8 =	smax.u32 s8, $0x1;
	s10 =	simm.s32 $0x1  }
.LBB2_1:
0xe: {  	[tilespmem:s9], [sflag:$0x1] =	stream.linear.gather [hbm4b:s2+s4], $0x4000, $0x38;
	[tilespmem:$0x19400] =	vst v63  }
0xf: {  	_ =	swait.ge [sflag:s10], $0x4000  }
0x10: {  	[sflag:s10] =	ssyncset.done $0x0  }
0x11: {  	[sflag:s10] =	ssyncadd.s32 $0xFFFFC000  }
0x12: {  	[tilespmem:s4], [sflag:$0x1] =	stream.linear.gather [hbm4b:s6+s4], $0x1400, $0x38;
	[tilespmem:$0x19400] =	vst v63  }
0x13: {  	_ =	swait.ge [sflag:s10], $0x1400  }
0x14: {  	[sflag:s10] =	ssyncset.done $0x0  }
0x15: {  	[sflag:s10] =	ssyncadd.s32 $0xFFFFEC00  }
0x16: {  	[spmem:s12], [sflag:s11] =	dma.local [hbm:s5], $0x2800  }
0x17: {  	_ =	swait.ge [sflag:s10], $0x2800  }
0x18: {  	[sflag:s10] =	ssyncset.done $0x0  }
0x19: {  	[sflag:s10] =	ssyncadd.s32 $0xFFFFD800  }
0x1a: {  	s15 =	simm.s32 $0x0;
	[bflag:$0x0] =	sbarrier.arrive $0xFFFF  }
0x1b: {  	[spmem:s3] =	stream.indirect.scatter.add.f32 [tilespmem:s9], [sflag:$0x1], $0x80, s15, s13, $0xb8;
	[tilespmem:$0x19400] =	vst v63  }
0x1c: {  	_ =	swait.ge [sflag:s10], $0x4000  }
0x1d: {  	s15 =	simm.s32 $0x200;
	[sflag:s10] =	ssyncset.done $0x0  }
.LBB2_2:
0x1e: {  	s16 =	sshra.s32 s15, $0x2;
	[sflag:s10] =	ssyncadd.s32 $0xFFFFC000;
	p0 =	sne.s32 s15, $0x4E00  }
0x1f: {  	[spmem:s3] =	stream.indirect.scatter.add.f32 [tilespmem:s9], [sflag:$0x1], $0x80, s16, s13, $0xb8;
	[tilespmem:$0x19400] =	vst v63  }
.Ltmp0:
0x20: {  	_ = 	snop;
	(pc) =	sbr.rel @p0 .LBB2_2-.Ltmp0, $4  }
0x21: {  	_ = 	snop  }
0x22: {  	s15 =	sadd.s32 $0x200, s15  }
0x23: {  	_ =	swait.ge [sflag:s10], $0x4000  }
0x24: {  	[sflag:s10] =	ssyncset.done $0x0  }
0x25: {  	s14 =	sadd.s32 $0x1, s14  }
0x26: {  	[sflag:s10] =	ssyncadd.s32 $0xFFFFC000;
	p0 =	sne.s32 s14, s8  }
.Ltmp1:
0x27: {  	[bflag:$0x0] =	sbarrier.arrive $0xFFFF;
	(pc) =	sbr.rel @p0 .LBB2_1-.Ltmp1, $4  }
0x28: {  	[hbm:s7], [sflag:s11] =	dma.local [spmem:s12], $0x2800  }
0x29: {  	_ =	swait.ge [sflag:s10], $0x2800  }
0x2a: {  	[sflag:s10] =	ssyncset.done $0x0  }
0x2b: {  	[sflag:s10] =	ssyncadd.s32 $0xFFFFD800  }
0x2c: {  	_ =	sfence.sel $0x180000  }
0x2d: {  	[bflag:$0x0] =	sbarrier.arrive $0xFFFF  }
0x2e: {  	p0 =	sne.s32 s0, $0x0;
	_ =	strace $0x90000047  }
0x2f: {  	s0 =	sadd.s32 @!p0 $0x100000, s1;
	[bflag:$0x2] =	sbarrier.arrive $0xFFFF  }
0x30: {  	[sflag:s0] =	ssyncadd.tile.s32 @!p0 $0x1;
	_ =	shalt  }
.Lfunc_end2:
_tile_overlayer_lowered:
.L_overlay_start_2:
0x31: {  	(tag) =	ssettag $0x2  }
0x32: {  	s0 =	rddreg [dreg:$0x0];
	s2 =	stileid.u32  }
0x33: {  	s1 =	rddreg [dreg:$0x1];
	p0 =	sne.s32 s2, $0x0  }
0x34: {  	s3 =	rddreg [dreg:$0x2];
	[bflag:$0x3] =	sbarrier.arrive $0xFFFF;
	s2 =	simm.s32 @!p0 $0x1C01  }
0x35: {  	[timem:s3], [sflag:s2] =	dma.local @!p0 [hbm:s0], s1  }
0x36: {  	s0 =	simm.s32 @!p0 $0x1  }
0x37: {  	_ =	swait.ge @!p0 [sflag:s0], s1  }
0x38: {  	s1 =	ssub.s32 @!p0 $0x0, s1;
	[sflag:s0] =	ssyncset.done @!p0 $0x0  }
0x39: {  	[sflag:s0] =	ssyncadd.s32 @!p0 s1  }
0x3a: {  	[bflag:$0x3] =	sbarrier.arrive $0xFFFF  }
0x3b: {  	_ =	shalt  }

</sc_bundles>
